<compile_context>
chip_gen: v7x
topology: tpu7x:2x2x1
jax: 0.10.2.dev20260603
libtpu: 0.0.44.dev20260713+nightly
codegen_flags: <defaults>
</compile_context>

<pallas_src>
import functools

import jax
import jax.numpy as jnp
from jax import lax
from jax.experimental import pallas as pl
from jax.experimental.pallas import tpu as pltpu
from jax.experimental.pallas import tpu_sc as plsc

NUM_EMBEDDINGS = 1000000
D = 64
BATCH = 16384
HIST = 50

NC = 2
NS = 16
NW = NC * NS
NBT = BATCH // 128
BT_PER_W = NBT // NW
NU = HIST * 2


def _emb_body(idx_hbm, table_hbm, out_hbm, idx_v,
              gbuf0, gbuf1, tbuf0, tbuf1, gs0, gs1, ws0, ws1):
    gbufs = (gbuf0, gbuf1)
    tbufs = (tbuf0, tbuf1)
    gsems = (gs0, gs1)
    wsems = (ws0, ws1)

    wid = lax.axis_index("s") * NC + lax.axis_index("c")
    bt0 = wid * BT_PER_W

    pltpu.sync_copy(idx_hbm.at[:, pl.ds(bt0, BT_PER_W), :], idx_v)

    def gdesc(s, h, jj, btj):
        return pltpu.make_async_copy(
            table_hbm.at[idx_v.at[h, 2 * jj + btj]],
            gbufs[s].at[pl.ds(btj * 128, 128)], gsems[s])

    def wdesc(s, h, jj, btj):
        return pltpu.make_async_copy(
            tbufs[s].at[btj, :, :, pl.ds(0, 128)],
            out_hbm.at[h, :, bt0 + 2 * jj + btj, :, :], wsems[s])

    gdesc(0, 0, 0, 0).start()
    gdesc(0, 0, 0, 1).start()

    @pl.loop(0, NU, step=2)
    def _round(g):
        h = g // 2
        for j in range(2):
            u = g + j
            gdesc(j, h, j, 0).wait()
            gdesc(j, h, j, 1).wait()

            nh = h + j
            njj = 1 - j

            @pl.when(u + 1 < NU)
            def _():
                gdesc(1 - j, nh, njj, 0).start()
                gdesc(1 - j, nh, njj, 1).start()

            @pl.when(u >= 2)
            def _():
                wdesc(j, h - 1, j, 0).wait()
                wdesc(j, h - 1, j, 1).wait()

            lanes = lax.iota(jnp.int32, 16)
            dsub_vec = lanes % 8
            hi = lanes // 8
            def _t(bsub, acc):
                bsplat = jnp.full((16,), bsub, jnp.int32)
                for jj2 in range(2):
                    jsplat = jnp.full((16,), jj2, jnp.int32)
                    for c in range(4):
                        v = gbufs[j][jj2 * 128 + bsub, pl.ds(16 * c, 16)]
                        plsc.store_scatter(
                            tbufs[j], [jsplat, 2 * c + hi, dsub_vec, bsplat],
                            v)
                        acc = acc ^ plsc.bitcast(v, jnp.int32)
                return acc

            tacc = plsc.parallel_loop(
                0, 128, unroll=2,
                carry=jnp.zeros((16,), jnp.int32))(_t)

            @pl.when((jnp.sum(tacc) | 1) != 0)
            def _():
                wdesc(j, h, j, 0).start()
                wdesc(j, h, j, 1).start()

    for btj in range(2):
        wdesc(0, HIST - 1, 0, btj).wait()
        wdesc(1, HIST - 1, 1, btj).wait()


VTF = NUM_EMBEDDINGS // 128
NBLK = VTF // NW + 1


def _wt_body(wt_hbm, wtail_hbm, wlin_hbm,
             bb0, bb1, rb0, rb1, tb, gs0, gs1, ws0, ws1):
    bbs = (bb0, bb1)
    rbs = (rb0, rb1)
    gsems = (gs0, gs1)
    wsems = (ws0, ws1)
    wid = lax.axis_index("s") * NC + lax.axis_index("c")

    @pl.when(wid == 0)
    def _():
        pltpu.sync_copy(wtail_hbm, tb)
        pltpu.sync_copy(tb, wlin_hbm.at[pl.ds(VTF * 8, 4)])

    def gdesc(s, vt):
        return pltpu.make_async_copy(
            wt_hbm.at[:, pl.ds(vt * 128, 128)], bbs[s], gsems[s])

    def wdesc(s, vt):
        return pltpu.make_async_copy(
            rbs[s].at[:, :, pl.ds(0, 128)],
            wlin_hbm.at[pl.ds(vt * 8, 8)], wsems[s])

    gdesc(0, wid).start()
    lanes = lax.iota(jnp.int32, 16)

    @pl.loop(0, NBLK, step=2)
    def _blk(g):
        for s in range(2):
            k = g + s
            vt = wid + NW * k

            @pl.when(vt < VTF)
            def _():
                gdesc(s, vt).wait()
                nvt = wid + NW * (k + 1)

                @pl.when(nvt < VTF)
                def _():
                    gdesc(1 - s, nvt).start()

                @pl.when(k >= 2)
                def _():
                    wdesc(s, wid + NW * (k - 2)).wait()

                rvec = (lanes // 2) % 8
                mbase = (lanes % 2) * 64

                def _t(d, acc):
                    mvec = mbase + d
                    for c in range(8):
                        v = bbs[s][d, pl.ds(16 * c, 16)]
                        plsc.store_scatter(
                            rbs[s],
                            [jnp.full((16,), c, jnp.int32), rvec, mvec], v)
                        acc = acc ^ plsc.bitcast(v, jnp.int32)
                    return acc

                wacc = plsc.parallel_loop(
                    0, D, unroll=2,
                    carry=jnp.zeros((16,), jnp.int32))(_t)

                @pl.when((jnp.sum(wacc) | 1) != 0)
                def _():
                    wdesc(s, vt).start()

    wdesc(0, wid).wait()
    wdesc(1, wid).wait()


_wt = functools.partial(
    pl.kernel,
    out_type=jax.ShapeDtypeStruct((NUM_EMBEDDINGS // 16, 8, 128), jnp.float32),
    mesh=plsc.VectorSubcoreMesh(core_axis_name="c", subcore_axis_name="s"),
    compiler_params=pltpu.CompilerParams(use_tc_tiling_on_sc=True,
                                         needs_layout_passes=False),
    scratch_types=(
        [pltpu.VMEM((D, 128), jnp.float32) for _ in range(2)]
        + [pltpu.VMEM((8, 8, 129), jnp.float32) for _ in range(2)]
        + [pltpu.VMEM((4, 8, 128), jnp.float32)]
        + [pltpu.SemaphoreType.DMA for _ in range(4)]
    ),
)(_wt_body)


_emb = functools.partial(
    pl.kernel,
    out_type=jax.ShapeDtypeStruct((HIST, 8, NBT, 8, 128), jnp.float32),
    mesh=plsc.VectorSubcoreMesh(core_axis_name="c", subcore_axis_name="s"),
    compiler_params=pltpu.CompilerParams(use_tc_tiling_on_sc=False,
                                         needs_layout_passes=False),
    scratch_types=(
        [pltpu.VMEM((HIST, BT_PER_W, 128), jnp.int32)]
        + [pltpu.VMEM((256, D), jnp.float32) for _ in range(2)]
        + [pltpu.VMEM((2, 8, 8, 129), jnp.float32) for _ in range(2)]
        + [pltpu.SemaphoreType.DMA for _ in range(4)]
    ),
)(_emb_body)


@jax.jit
def kernel(x, weight):
    idx = x.T.reshape(HIST, NBT, 128).astype(jnp.int32)
    out5 = _emb(idx, weight)
    return out5.transpose(2, 4, 0, 1, 3).reshape(BATCH, HIST, D)

# --- scband reference (transcript-rebuilt; emitter-appended) ---
"""Pipeline reference for scband-embedding-30425548325117 (READ-ONLY COPY).

The authoritative reference and input builder live on the scoring server;
editing this copy changes nothing except your own understanding.
"""

import jax, jax.numpy as jnp
import numpy as np

NUM_EMBEDDINGS = 1000000
EMBEDDING_DIM = 64
BATCH = 16384
HIST = 50

def setup_inputs(seed: int = 0) -> dict:
    key = jax.random.key(seed)
    k1, k2 = jax.random.split(key)
    x = jax.random.randint(k1, (BATCH, HIST), 0, NUM_EMBEDDINGS, dtype=jnp.int64 if jax.config.jax_enable_x64 else jnp.int32)
    weight = jax.random.normal(k2, (NUM_EMBEDDINGS, EMBEDDING_DIM), dtype=jnp.float32) * 0.02
    return {"x": x, "weight": weight}

def reference(x, weight):
    # Embedding lookup: for each integer in x, return that row of weight.
    return jnp.take(weight, x, axis=0)

if __name__ == "__main__":
    import jax
    _d = setup_inputs()
    print(jax.jit(kernel)(*tuple(_d.values())))

</pallas_src>

<mosaic_0001>
#map = affine_map<(d0, d1) -> (0, 0, 0)>
#map1 = affine_map<(d0, d1) -> (0, 0)>
#map2 = affine_map<(d0, d1) -> (0, 0, 0, 0, 0)>
module attributes {stable_mosaic.version = 14 : i64} {
  func.func @_emb_body(%arg0: i32, %arg1: i32, %arg2: memref<50x128x128xi32, #tpu.memory_space<hbm>>, %arg3: memref<1000000x64xf32, #tpu.memory_space<hbm>>, %arg4: memref<50x8x128x8x128xf32, #tpu.memory_space<hbm>>, %arg5: memref<50x4x128xi32, #tpu.memory_space<vmem>>, %arg6: memref<256x64xf32, #tpu.memory_space<vmem>>, %arg7: memref<256x64xf32, #tpu.memory_space<vmem>>, %arg8: memref<2x8x8x129xf32, #tpu.memory_space<vmem>>, %arg9: memref<2x8x8x129xf32, #tpu.memory_space<vmem>>, %arg10: memref<!tpu.dma_semaphore, #tpu.memory_space<semaphore_mem>>, %arg11: memref<!tpu.dma_semaphore, #tpu.memory_space<semaphore_mem>>, %arg12: memref<!tpu.dma_semaphore, #tpu.memory_space<semaphore_mem>>, %arg13: memref<!tpu.dma_semaphore, #tpu.memory_space<semaphore_mem>>) attributes {dimension_semantics = [#tpu.dimension_semantics<core_parallel>, #tpu.dimension_semantics<subcore_parallel>], iteration_bounds = array<i64: 2, 16>, scalar_prefetch = 0 : i64, scratch_operands = 9 : i64, tpu.core_type = #tpu.core_type<sc_vector_subcore>, window_params = [{transform_indices = #map}, {transform_indices = #map1}, {transform_indices = #map2}]} {
    %mul3A = arith.constant 2 : i32
    %mul3A_0 = arith.muli %arg1, %mul3A : i32
    %add3A = arith.addi %mul3A_0, %arg0 : i32
    %mul3A_1 = arith.constant 4 : i32
    %mul3A_2 = arith.muli %add3A, %mul3A_1 : i32
    "tpu.region"() ({
      %run_scoped3A = tpu.sem_alloc : memref<!tpu.dma_semaphore, #tpu.memory_space<semaphore_mem>>
      %dma_start3A_131 = arith.constant 0 : i32
      %dma_start3A_132 = arith.constant 0 : i32
      %dma_start3A_133 = tpu.memref_slice %arg2[%dma_start3A_131, %mul3A_2, %dma_start3A_132] : memref<50x128x128xi32, #tpu.memory_space<hbm>> -> memref<50x4x128xi32, #tpu.memory_space<hbm>>
      %dma_start3A_134 = arith.constant 0 : i32
      %dma_start3A_135 = arith.constant 0 : i32
      %dma_start3A_136 = tpu.memref_slice %arg2[%dma_start3A_134, %mul3A_2, %dma_start3A_135] : memref<50x128x128xi32, #tpu.memory_space<hbm>> -> memref<50x4x128xi32, #tpu.memory_space<hbm>>
      tpu.enqueue_dma source(%dma_start3A_136 : memref<50x4x128xi32, #tpu.memory_space<hbm>>) target(%arg5 : memref<50x4x128xi32, #tpu.memory_space<vmem>>) target_semaphore(%run_scoped3A : memref<!tpu.dma_semaphore, #tpu.memory_space<semaphore_mem>>)
      %dma_wait3A_137 = arith.constant 0 : i32
      %dma_wait3A_138 = arith.constant 0 : i32
      %dma_wait3A_139 = tpu.memref_slice %arg2[%dma_wait3A_137, %mul3A_2, %dma_wait3A_138] : memref<50x128x128xi32, #tpu.memory_space<hbm>> -> memref<50x4x128xi32, #tpu.memory_space<hbm>>
      %dma_wait3A_140 = arith.constant 0 : i32
      %dma_wait3A_141 = arith.constant 0 : i32
      %dma_wait3A_142 = tpu.memref_slice %arg2[%dma_wait3A_140, %mul3A_2, %dma_wait3A_141] : memref<50x128x128xi32, #tpu.memory_space<hbm>> -> memref<50x4x128xi32, #tpu.memory_space<hbm>>
      tpu.wait_dma2 semaphore(%run_scoped3A : memref<!tpu.dma_semaphore, #tpu.memory_space<semaphore_mem>>) src(%dma_wait3A_142 : memref<50x4x128xi32, #tpu.memory_space<hbm>>) dst(%arg5 : memref<50x4x128xi32, #tpu.memory_space<vmem>>)
      tpu.yield
    }) : () -> ()
    %dma_start3A = arith.constant 0 : i32
    %dma_start3A_3 = arith.constant 0 : i32
    %dma_start3A_4 = arith.constant 0 : i32
    %dma_start3A_5 = arith.constant 0 : i32
    %dma_start3A_6 = tpu.memref_slice %arg6[%dma_start3A_4, %dma_start3A_5] : memref<256x64xf32, #tpu.memory_space<vmem>> -> memref<128x64xf32, #tpu.memory_space<vmem>>
    %dma_start3A_7 = arith.constant 0 : i32
    %dma_start3A_8 = tpu.memref_slice %arg5[%dma_start3A, %dma_start3A_3, %dma_start3A_7] : memref<50x4x128xi32, #tpu.memory_space<vmem>> -> memref<1x1x128xi32, #tpu.memory_space<vmem>>
    %dma_start3A_9 = tpu.memref_squeeze %dma_start3A_8 : memref<1x1x128xi32, #tpu.memory_space<vmem>> -> memref<128xi32, #tpu.memory_space<vmem>>
    %dma_start3A_10 = arith.constant 0 : i32
    %dma_start3A_11 = arith.constant 0 : i32
    %dma_start3A_12 = tpu.memref_slice %arg3[%dma_start3A_10, %dma_start3A_11] : memref<1000000x64xf32, #tpu.memory_space<hbm>> -> memref<1000000x64xf32, #tpu.memory_space<hbm>>
    tpu.enqueue_indirect_dma source(%dma_start3A_12 : memref<1000000x64xf32, #tpu.memory_space<hbm>>) target(%dma_start3A_6 : memref<128x64xf32, #tpu.memory_space<vmem>>) offsets(%dma_start3A_9 : memref<128xi32, #tpu.memory_space<vmem>>) semaphore(%arg10 : memref<!tpu.dma_semaphore, #tpu.memory_space<semaphore_mem>>)
    %dma_start3A_13 = arith.constant 0 : i32
    %dma_start3A_14 = arith.constant 1 : i32
    %dma_start3A_15 = arith.constant 128 : i32
    %dma_start3A_16 = arith.constant 0 : i32
    %dma_start3A_17 = tpu.memref_slice %arg6[%dma_start3A_15, %dma_start3A_16] : memref<256x64xf32, #tpu.memory_space<vmem>> -> memref<128x64xf32, #tpu.memory_space<vmem>>
    %dma_start3A_18 = arith.constant 0 : i32
    %dma_start3A_19 = tpu.memref_slice %arg5[%dma_start3A_13, %dma_start3A_14, %dma_start3A_18] : memref<50x4x128xi32, #tpu.memory_space<vmem>> -> memref<1x1x128xi32, #tpu.memory_space<vmem>>
    %dma_start3A_20 = tpu.memref_squeeze %dma_start3A_19 : memref<1x1x128xi32, #tpu.memory_space<vmem>> -> memref<128xi32, #tpu.memory_space<vmem>>
    %dma_start3A_21 = arith.constant 0 : i32
    %dma_start3A_22 = arith.constant 0 : i32
    %dma_start3A_23 = tpu.memref_slice %arg3[%dma_start3A_21, %dma_start3A_22] : memref<1000000x64xf32, #tpu.memory_space<hbm>> -> memref<1000000x64xf32, #tpu.memory_space<hbm>>
    tpu.enqueue_indirect_dma source(%dma_start3A_23 : memref<1000000x64xf32, #tpu.memory_space<hbm>>) target(%dma_start3A_17 : memref<128x64xf32, #tpu.memory_space<vmem>>) offsets(%dma_start3A_20 : memref<128xi32, #tpu.memory_space<vmem>>) semaphore(%arg10 : memref<!tpu.dma_semaphore, #tpu.memory_space<semaphore_mem>>)
    %scan3A = arith.constant 0 : i32
    %scan3A_24 = arith.constant 50 : i32
    %scan3A_25 = arith.addi %scan3A, %scan3A_24 : i32
    %scan3A_26 = arith.constant 1 : i32
    scf.for %scan3A_131 = %scan3A to %scan3A_25 step %scan3A_26  : i32 {
      %mul3A_132 = arith.constant 2 : i32
      %mul3A_133 = arith.muli %scan3A_131, %mul3A_132 : i32
      %add3A_134 = arith.constant 0 : i32
      %add3A_135 = arith.addi %add3A_134, %mul3A_133 : i32
      %jit3A = arith.constant 2 : i32
      %div3A = arith.divsi %add3A_135, %jit3A : i32
      %sign3A = arith.constant 0 : i32
      %sign3A_136 = arith.cmpi sgt, %add3A_135, %sign3A : i32
      %sign3A_137 = arith.extui %sign3A_136 : i1 to i32
      %sign3A_138 = arith.constant 0 : i32
      %sign3A_139 = arith.cmpi slt, %add3A_135, %sign3A_138 : i32
      %sign3A_140 = arith.extui %sign3A_139 : i1 to i32
      %sign3A_141 = arith.subi %sign3A_137, %sign3A_140 : i32
      %sign3A_142 = arith.constant 0 : i32
      %sign3A_143 = arith.cmpi sgt, %jit3A, %sign3A_142 : i32
      %sign3A_144 = arith.extui %sign3A_143 : i1 to i32
      %sign3A_145 = arith.constant 0 : i32
      %sign3A_146 = arith.cmpi slt, %jit3A, %sign3A_145 : i32
      %sign3A_147 = arith.extui %sign3A_146 : i1 to i32
      %sign3A_148 = arith.subi %sign3A_144, %sign3A_147 : i32
      %ne3A = arith.cmpi ne, %sign3A_141, %sign3A_148 : i32
      %rem3A = arith.remsi %add3A_135, %jit3A : i32
      %ne3A_149 = arith.constant 0 : i32
      %ne3A_150 = arith.cmpi ne, %rem3A, %ne3A_149 : i32
      %and3A = arith.andi %ne3A, %ne3A_150 : i1
      %sub3A = arith.constant 1 : i32
      %sub3A_151 = arith.subi %div3A, %sub3A : i32
      %select_n3A = arith.select %and3A, %sub3A_151, %div3A : i32
      %add3A_152 = arith.constant 0 : i32
      %add3A_153 = arith.addi %add3A_135, %add3A_152 : i32
      %dma_wait3A_154 = arith.constant 0 : i32
      %dma_wait3A_155 = arith.constant 0 : i32
      %dma_wait3A_156 = arith.constant 0 : i32
      %dma_wait3A_157 = tpu.memref_slice %arg6[%dma_wait3A_155, %dma_wait3A_156] : memref<256x64xf32, #tpu.memory_space<vmem>> -> memref<128x64xf32, #tpu.memory_space<vmem>>
      %dma_wait3A_158 = arith.constant 0 : i32
      %dma_wait3A_159 = tpu.memref_slice %arg5[%select_n3A, %dma_wait3A_154, %dma_wait3A_158] : memref<50x4x128xi32, #tpu.memory_space<vmem>> -> memref<1x1x128xi32, #tpu.memory_space<vmem>>
      %dma_wait3A_160 = tpu.memref_squeeze %dma_wait3A_159 : memref<1x1x128xi32, #tpu.memory_space<vmem>> -> memref<128xi32, #tpu.memory_space<vmem>>
      %dma_wait3A_161 = arith.constant 0 : i32
      %dma_wait3A_162 = arith.constant 0 : i32
      %dma_wait3A_163 = tpu.memref_slice %arg3[%dma_wait3A_161, %dma_wait3A_162] : memref<1000000x64xf32, #tpu.memory_space<hbm>> -> memref<1000000x64xf32, #tpu.memory_space<hbm>>
      tpu.wait_indirect_dma semaphore(%arg10 : memref<!tpu.dma_semaphore, #tpu.memory_space<semaphore_mem>>) src(%dma_wait3A_163 : memref<1000000x64xf32, #tpu.memory_space<hbm>>) dst(%dma_wait3A_157 : memref<128x64xf32, #tpu.memory_space<vmem>>)
      %dma_wait3A_164 = arith.constant 1 : i32
      %dma_wait3A_165 = arith.constant 128 : i32
      %dma_wait3A_166 = arith.constant 0 : i32
      %dma_wait3A_167 = tpu.memref_slice %arg6[%dma_wait3A_165, %dma_wait3A_166] : memref<256x64xf32, #tpu.memory_space<vmem>> -> memref<128x64xf32, #tpu.memory_space<vmem>>
      %dma_wait3A_168 = arith.constant 0 : i32
      %dma_wait3A_169 = tpu.memref_slice %arg5[%select_n3A, %dma_wait3A_164, %dma_wait3A_168] : memref<50x4x128xi32, #tpu.memory_space<vmem>> -> memref<1x1x128xi32, #tpu.memory_space<vmem>>
      %dma_wait3A_170 = tpu.memref_squeeze %dma_wait3A_169 : memref<1x1x128xi32, #tpu.memory_space<vmem>> -> memref<128xi32, #tpu.memory_space<vmem>>
      %dma_wait3A_171 = arith.constant 0 : i32
      %dma_wait3A_172 = arith.constant 0 : i32
      %dma_wait3A_173 = tpu.memref_slice %arg3[%dma_wait3A_171, %dma_wait3A_172] : memref<1000000x64xf32, #tpu.memory_space<hbm>> -> memref<1000000x64xf32, #tpu.memory_space<hbm>>
      tpu.wait_indirect_dma semaphore(%arg10 : memref<!tpu.dma_semaphore, #tpu.memory_space<semaphore_mem>>) src(%dma_wait3A_173 : memref<1000000x64xf32, #tpu.memory_space<hbm>>) dst(%dma_wait3A_167 : memref<128x64xf32, #tpu.memory_space<vmem>>)
      %add3A_174 = arith.constant 0 : i32
      %add3A_175 = arith.addi %select_n3A, %add3A_174 : i32
      %add3A_176 = arith.constant 1 : i32
      %add3A_177 = arith.addi %add3A_153, %add3A_176 : i32
      %lt3A = arith.constant 100 : i32
      %lt3A_178 = arith.cmpi slt, %add3A_177, %lt3A : i32
      %convert_element_type3A = arith.extui %lt3A_178 : i1 to i32
      %cond3A = arith.constant 0 : i32
      %cond3A_179 = arith.cmpi ne, %convert_element_type3A, %cond3A : i32
      scf.if %cond3A_179 {
        %dma_start3A_356 = arith.constant 2 : i32
        %dma_start3A_357 = arith.constant 0 : i32
        %dma_start3A_358 = arith.constant 0 : i32
        %dma_start3A_359 = tpu.memref_slice %arg7[%dma_start3A_357, %dma_start3A_358] : memref<256x64xf32, #tpu.memory_space<vmem>> -> memref<128x64xf32, #tpu.memory_space<vmem>>
        %dma_start3A_360 = arith.constant 0 : i32
        %dma_start3A_361 = tpu.memref_slice %arg5[%add3A_175, %dma_start3A_356, %dma_start3A_360] : memref<50x4x128xi32, #tpu.memory_space<vmem>> -> memref<1x1x128xi32, #tpu.memory_space<vmem>>
        %dma_start3A_362 = tpu.memref_squeeze %dma_start3A_361 : memref<1x1x128xi32, #tpu.memory_space<vmem>> -> memref<128xi32, #tpu.memory_space<vmem>>
        %dma_start3A_363 = arith.constant 0 : i32
        %dma_start3A_364 = arith.constant 0 : i32
        %dma_start3A_365 = tpu.memref_slice %arg3[%dma_start3A_363, %dma_start3A_364] : memref<1000000x64xf32, #tpu.memory_space<hbm>> -> memref<1000000x64xf32, #tpu.memory_space<hbm>>
        tpu.enqueue_indirect_dma source(%dma_start3A_365 : memref<1000000x64xf32, #tpu.memory_space<hbm>>) target(%dma_start3A_359 : memref<128x64xf32, #tpu.memory_space<vmem>>) offsets(%dma_start3A_362 : memref<128xi32, #tpu.memory_space<vmem>>) semaphore(%arg11 : memref<!tpu.dma_semaphore, #tpu.memory_space<semaphore_mem>>)
        %dma_start3A_366 = arith.constant 3 : i32
        %dma_start3A_367 = arith.constant 128 : i32
        %dma_start3A_368 = arith.constant 0 : i32
        %dma_start3A_369 = tpu.memref_slice %arg7[%dma_start3A_367, %dma_start3A_368] : memref<256x64xf32, #tpu.memory_space<vmem>> -> memref<128x64xf32, #tpu.memory_space<vmem>>
        %dma_start3A_370 = arith.constant 0 : i32
        %dma_start3A_371 = tpu.memref_slice %arg5[%add3A_175, %dma_start3A_366, %dma_start3A_370] : memref<50x4x128xi32, #tpu.memory_space<vmem>> -> memref<1x1x128xi32, #tpu.memory_space<vmem>>
        %dma_start3A_372 = tpu.memref_squeeze %dma_start3A_371 : memref<1x1x128xi32, #tpu.memory_space<vmem>> -> memref<128xi32, #tpu.memory_space<vmem>>
        %dma_start3A_373 = arith.constant 0 : i32
        %dma_start3A_374 = arith.constant 0 : i32
        %dma_start3A_375 = tpu.memref_slice %arg3[%dma_start3A_373, %dma_start3A_374] : memref<1000000x64xf32, #tpu.memory_space<hbm>> -> memref<1000000x64xf32, #tpu.memory_space<hbm>>
        tpu.enqueue_indirect_dma source(%dma_start3A_375 : memref<1000000x64xf32, #tpu.memory_space<hbm>>) target(%dma_start3A_369 : memref<128x64xf32, #tpu.memory_space<vmem>>) offsets(%dma_start3A_372 : memref<128xi32, #tpu.memory_space<vmem>>) semaphore(%arg11 : memref<!tpu.dma_semaphore, #tpu.memory_space<semaphore_mem>>)
      } else {
      }
      %ge3A = arith.constant 2 : i32
      %ge3A_180 = arith.cmpi sge, %add3A_153, %ge3A : i32
      %convert_element_type3A_181 = arith.extui %ge3A_180 : i1 to i32
      %cond3A_182 = arith.constant 0 : i32
      %cond3A_183 = arith.cmpi ne, %convert_element_type3A_181, %cond3A_182 : i32
      scf.if %cond3A_183 {
        %sub3A_356 = arith.constant 1 : i32
        %sub3A_357 = arith.subi %select_n3A, %sub3A_356 : i32
        %add3A_358 = arith.constant 0 : i32
        %add3A_359 = arith.addi %mul3A_2, %add3A_358 : i32
        %add3A_360 = arith.constant 0 : i32
        %add3A_361 = arith.addi %add3A_359, %add3A_360 : i32
        %dma_wait3A_362 = arith.constant 0 : i32
        %dma_wait3A_363 = arith.constant 0 : i32
        %dma_wait3A_364 = arith.constant 0 : i32
        %dma_wait3A_365 = arith.constant 0 : i32
        %dma_wait3A_366 = tpu.memref_slice %arg8[%dma_wait3A_362, %dma_wait3A_363, %dma_wait3A_364, %dma_wait3A_365] : memref<2x8x8x129xf32, #tpu.memory_space<vmem>> -> memref<1x8x8x128xf32, #tpu.memory_space<vmem>>
        %dma_wait3A_367 = tpu.memref_squeeze %dma_wait3A_366 : memref<1x8x8x128xf32, #tpu.memory_space<vmem>> -> memref<8x8x128xf32, #tpu.memory_space<vmem>>
        %dma_wait3A_368 = arith.constant 0 : i32
        %dma_wait3A_369 = arith.constant 0 : i32
        %dma_wait3A_370 = arith.constant 0 : i32
        %dma_wait3A_371 = tpu.memref_slice %arg4[%sub3A_357, %dma_wait3A_368, %add3A_361, %dma_wait3A_369, %dma_wait3A_370] : memref<50x8x128x8x128xf32, #tpu.memory_space<hbm>> -> memref<1x8x1x8x128xf32, #tpu.memory_space<hbm>>
        %dma_wait3A_372 = tpu.memref_squeeze %dma_wait3A_371 : memref<1x8x1x8x128xf32, #tpu.memory_space<hbm>> -> memref<8x8x128xf32, #tpu.memory_space<hbm>>
        %dma_wait3A_373 = arith.constant 0 : i32
        %dma_wait3A_374 = arith.constant 0 : i32
        %dma_wait3A_375 = arith.constant 0 : i32
        %dma_wait3A_376 = tpu.memref_slice %arg4[%sub3A_357, %dma_wait3A_373, %add3A_361, %dma_wait3A_374, %dma_wait3A_375] : memref<50x8x128x8x128xf32, #tpu.memory_space<hbm>> -> memref<1x8x1x8x128xf32, #tpu.memory_space<hbm>>
        %dma_wait3A_377 = tpu.memref_squeeze %dma_wait3A_376 : memref<1x8x1x8x128xf32, #tpu.memory_space<hbm>> -> memref<8x8x128xf32, #tpu.memory_space<hbm>>
        %dma_wait3A_378 = arith.constant 0 : i32
        %dma_wait3A_379 = arith.constant 0 : i32
        %dma_wait3A_380 = arith.constant 0 : i32
        %dma_wait3A_381 = tpu.memref_slice %arg8[%dma_wait3A_362, %dma_wait3A_378, %dma_wait3A_379, %dma_wait3A_380] : memref<2x8x8x129xf32, #tpu.memory_space<vmem>> -> memref<1x8x8x128xf32, #tpu.memory_space<vmem>>
        %dma_wait3A_382 = tpu.memref_squeeze %dma_wait3A_381 : memref<1x8x8x128xf32, #tpu.memory_space<vmem>> -> memref<8x8x128xf32, #tpu.memory_space<vmem>>
        tpu.wait_dma2 semaphore(%arg12 : memref<!tpu.dma_semaphore, #tpu.memory_space<semaphore_mem>>) src(%dma_wait3A_382 : memref<8x8x128xf32, #tpu.memory_space<vmem>>) dst(%dma_wait3A_377 : memref<8x8x128xf32, #tpu.memory_space<hbm>>)
        %sub3A_383 = arith.constant 1 : i32
        %sub3A_384 = arith.subi %select_n3A, %sub3A_383 : i32
        %add3A_385 = arith.constant 0 : i32
        %add3A_386 = arith.addi %mul3A_2, %add3A_385 : i32
        %add3A_387 = arith.constant 1 : i32
        %add3A_388 = arith.addi %add3A_386, %add3A_387 : i32
        %dma_wait3A_389 = arith.constant 1 : i32
        %dma_wait3A_390 = arith.constant 0 : i32
        %dma_wait3A_391 = arith.constant 0 : i32
        %dma_wait3A_392 = arith.constant 0 : i32
        %dma_wait3A_393 = tpu.memref_slice %arg8[%dma_wait3A_389, %dma_wait3A_390, %dma_wait3A_391, %dma_wait3A_392] : memref<2x8x8x129xf32, #tpu.memory_space<vmem>> -> memref<1x8x8x128xf32, #tpu.memory_space<vmem>>
        %dma_wait3A_394 = tpu.memref_squeeze %dma_wait3A_393 : memref<1x8x8x128xf32, #tpu.memory_space<vmem>> -> memref<8x8x128xf32, #tpu.memory_space<vmem>>
        %dma_wait3A_395 = arith.constant 0 : i32
        %dma_wait3A_396 = arith.constant 0 : i32
        %dma_wait3A_397 = arith.constant 0 : i32
        %dma_wait3A_398 = tpu.memref_slice %arg4[%sub3A_384, %dma_wait3A_395, %add3A_388, %dma_wait3A_396, %dma_wait3A_397] : memref<50x8x128x8x128xf32, #tpu.memory_space<hbm>> -> memref<1x8x1x8x128xf32, #tpu.memory_space<hbm>>
        %dma_wait3A_399 = tpu.memref_squeeze %dma_wait3A_398 : memref<1x8x1x8x128xf32, #tpu.memory_space<hbm>> -> memref<8x8x128xf32, #tpu.memory_space<hbm>>
        %dma_wait3A_400 = arith.constant 0 : i32
        %dma_wait3A_401 = arith.constant 0 : i32
        %dma_wait3A_402 = arith.constant 0 : i32
        %dma_wait3A_403 = tpu.memref_slice %arg4[%sub3A_384, %dma_wait3A_400, %add3A_388, %dma_wait3A_401, %dma_wait3A_402] : memref<50x8x128x8x128xf32, #tpu.memory_space<hbm>> -> memref<1x8x1x8x128xf32, #tpu.memory_space<hbm>>
        %dma_wait3A_404 = tpu.memref_squeeze %dma_wait3A_403 : memref<1x8x1x8x128xf32, #tpu.memory_space<hbm>> -> memref<8x8x128xf32, #tpu.memory_space<hbm>>
        %dma_wait3A_405 = arith.constant 0 : i32
        %dma_wait3A_406 = arith.constant 0 : i32
        %dma_wait3A_407 = arith.constant 0 : i32
        %dma_wait3A_408 = tpu.memref_slice %arg8[%dma_wait3A_389, %dma_wait3A_405, %dma_wait3A_406, %dma_wait3A_407] : memref<2x8x8x129xf32, #tpu.memory_space<vmem>> -> memref<1x8x8x128xf32, #tpu.memory_space<vmem>>
        %dma_wait3A_409 = tpu.memref_squeeze %dma_wait3A_408 : memref<1x8x8x128xf32, #tpu.memory_space<vmem>> -> memref<8x8x128xf32, #tpu.memory_space<vmem>>
        tpu.wait_dma2 semaphore(%arg12 : memref<!tpu.dma_semaphore, #tpu.memory_space<semaphore_mem>>) src(%dma_wait3A_409 : memref<8x8x128xf32, #tpu.memory_space<vmem>>) dst(%dma_wait3A_404 : memref<8x8x128xf32, #tpu.memory_space<hbm>>)
      } else {
      }
      %iota3A = tpu.iota {dimensions = array<i32: 0>} : vector<16xi32>
      %jit3A_184 = arith.constant 8 : i32
      %eq3A = arith.constant 0 : i32
      %eq3A_185 = arith.cmpi eq, %jit3A_184, %eq3A : i32
      %jit3A_186 = arith.constant 1 : i32
      %select_n3A_187 = arith.select %eq3A_185, %jit3A_186, %jit3A_184 : i32
      %rem3A_188 = vector.broadcast %select_n3A_187 : i32 to vector<16xi32>
      %rem3A_189 = arith.remsi %iota3A, %rem3A_188 : vector<16xi32>
      %ne3A_190 = arith.constant 0 : i32
      %ne3A_191 = vector.broadcast %ne3A_190 : i32 to vector<16xi32>
      %ne3A_192 = arith.cmpi ne, %rem3A_189, %ne3A_191 : vector<16xi32>
      %lt3A_193 = arith.constant 0 : i32
      %lt3A_194 = vector.broadcast %lt3A_193 : i32 to vector<16xi32>
      %lt3A_195 = arith.cmpi slt, %rem3A_189, %lt3A_194 : vector<16xi32>
      %lt3A_196 = arith.constant 0 : i32
      %lt3A_197 = arith.cmpi slt, %select_n3A_187, %lt3A_196 : i32
      %ne3A_198 = vector.broadcast %lt3A_197 : i1 to vector<16xi1>
      %ne3A_199 = vector.broadcast %ne3A_198 : vector<16xi1> to vector<16xi1>
      %ne3A_200 = arith.xori %lt3A_195, %ne3A_199 : vector<16xi1>
      %and3A_201 = arith.andi %ne3A_200, %ne3A_192 : vector<16xi1>
      %add3A_202 = vector.broadcast %select_n3A_187 : i32 to vector<16xi32>
      %add3A_203 = arith.addi %rem3A_189, %add3A_202 : vector<16xi32>
      %select_n3A_204 = arith.select %and3A_201, %add3A_203, %rem3A_189 : vector<16xi1>, vector<16xi32>
      %jit3A_205 = arith.constant 8 : i32
      %div3A_206 = vector.broadcast %jit3A_205 : i32 to vector<16xi32>
      %div3A_207 = arith.divsi %iota3A, %div3A_206 : vector<16xi32>
      %sign3A_208 = arith.constant 0 : i32
      %sign3A_209 = vector.broadcast %sign3A_208 : i32 to vector<16xi32>
      %sign3A_210 = arith.cmpi sgt, %iota3A, %sign3A_209 : vector<16xi32>
      %sign3A_211 = arith.extui %sign3A_210 : vector<16xi1> to vector<16xi32>
      %sign3A_212 = arith.constant 0 : i32
      %sign3A_213 = vector.broadcast %sign3A_212 : i32 to vector<16xi32>
      %sign3A_214 = arith.cmpi slt, %iota3A, %sign3A_213 : vector<16xi32>
      %sign3A_215 = arith.extui %sign3A_214 : vector<16xi1> to vector<16xi32>
      %sign3A_216 = arith.subi %sign3A_211, %sign3A_215 : vector<16xi32>
      %sign3A_217 = arith.constant 0 : i32
      %sign3A_218 = arith.cmpi sgt, %jit3A_205, %sign3A_217 : i32
      %sign3A_219 = arith.extui %sign3A_218 : i1 to i32
      %sign3A_220 = arith.constant 0 : i32
      %sign3A_221 = arith.cmpi slt, %jit3A_205, %sign3A_220 : i32
      %sign3A_222 = arith.extui %sign3A_221 : i1 to i32
      %sign3A_223 = arith.subi %sign3A_219, %sign3A_222 : i32
      %ne3A_224 = vector.broadcast %sign3A_223 : i32 to vector<16xi32>
      %ne3A_225 = arith.cmpi ne, %sign3A_216, %ne3A_224 : vector<16xi32>
      %rem3A_226 = vector.broadcast %jit3A_205 : i32 to vector<16xi32>
      %rem3A_227 = arith.remsi %iota3A, %rem3A_226 : vector<16xi32>
      %ne3A_228 = arith.constant 0 : i32
      %ne3A_229 = vector.broadcast %ne3A_228 : i32 to vector<16xi32>
      %ne3A_230 = arith.cmpi ne, %rem3A_227, %ne3A_229 : vector<16xi32>
      %and3A_231 = arith.andi %ne3A_225, %ne3A_230 : vector<16xi1>
      %sub3A_232 = arith.constant 1 : i32
      %sub3A_233 = vector.broadcast %sub3A_232 : i32 to vector<16xi32>
      %sub3A_234 = arith.subi %div3A_207, %sub3A_233 : vector<16xi32>
      %select_n3A_235 = arith.select %and3A_231, %sub3A_234, %div3A_207 : vector<16xi1>, vector<16xi32>
      %broadcast_in_dim3A = arith.constant 0 : i32
      %broadcast_in_dim3A_236 = vector.broadcast %broadcast_in_dim3A : i32 to vector<16xi32>
      %parallel_loop3A = arith.constant 0 : i32
      %parallel_loop3A_237 = arith.constant 128 : i32
      %parallel_loop3A_238 = arith.constant 1 : i32
      %parallel_loop3A_239 = scf.for %parallel_loop3A_356 = %parallel_loop3A to %parallel_loop3A_237 step %parallel_loop3A_238 iter_args(%parallel_loop3A_357 = %broadcast_in_dim3A_236) -> (vector<16xi32>)  : i32 {
        %parallel_loop3A_358 = vector.broadcast %parallel_loop3A_356 : i32 to vector<16xi32>
        %parallel_loop3A_359 = arith.constant 0 : i32
        %parallel_loop3A_360 = vector.broadcast %parallel_loop3A_359 : i32 to vector<16xi32>
        %parallel_loop3A_361 = arith.constant 0 : i32
        %parallel_loop3A_362 = arith.addi %parallel_loop3A_361, %parallel_loop3A_356 : i32
        %parallel_loop3A_363 = arith.index_cast %parallel_loop3A_362 : i32 to index
        %parallel_loop3A_364 = arith.constant 0 : index
        %parallel_loop3A_365 = tpu.vector_load %arg6[%parallel_loop3A_363, %parallel_loop3A_364] {strides = array<i32>} : memref<256x64xf32, #tpu.memory_space<vmem>>, vector<16xf32>,
        %parallel_loop3A_366 = arith.constant 0 : i32
        %parallel_loop3A_367 = vector.broadcast %parallel_loop3A_366 : i32 to vector<16xi32>
        %parallel_loop3A_368 = arith.addi %parallel_loop3A_367, %select_n3A_235 : vector<16xi32>
        tpu.vector_store_idx %arg8[%parallel_loop3A_360, %parallel_loop3A_368, %select_n3A_204, %parallel_loop3A_358], %parallel_loop3A_365 : memref<2x8x8x129xf32, #tpu.memory_space<vmem>>[vector<16xi32>, vector<16xi32>, vector<16xi32>, vector<16xi32>], vector<16xf32>,
        %parallel_loop3A_369 = vector.bitcast %parallel_loop3A_365 : vector<16xf32> to vector<16xi32>
        %parallel_loop3A_370 = arith.xori %parallel_loop3A_357, %parallel_loop3A_369 : vector<16xi32>
        %parallel_loop3A_371 = arith.constant 0 : i32
        %parallel_loop3A_372 = arith.addi %parallel_loop3A_371, %parallel_loop3A_356 : i32
        %parallel_loop3A_373 = arith.index_cast %parallel_loop3A_372 : i32 to index
        %parallel_loop3A_374 = arith.constant 16 : index
        %parallel_loop3A_375 = tpu.vector_load %arg6[%parallel_loop3A_373, %parallel_loop3A_374] {strides = array<i32>} : memref<256x64xf32, #tpu.memory_space<vmem>>, vector<16xf32>,
        %parallel_loop3A_376 = arith.constant 2 : i32
        %parallel_loop3A_377 = vector.broadcast %parallel_loop3A_376 : i32 to vector<16xi32>
        %parallel_loop3A_378 = arith.addi %parallel_loop3A_377, %select_n3A_235 : vector<16xi32>
        tpu.vector_store_idx %arg8[%parallel_loop3A_360, %parallel_loop3A_378, %select_n3A_204, %parallel_loop3A_358], %parallel_loop3A_375 : memref<2x8x8x129xf32, #tpu.memory_space<vmem>>[vector<16xi32>, vector<16xi32>, vector<16xi32>, vector<16xi32>], vector<16xf32>,
        %parallel_loop3A_379 = vector.bitcast %parallel_loop3A_375 : vector<16xf32> to vector<16xi32>
        %parallel_loop3A_380 = arith.xori %parallel_loop3A_370, %parallel_loop3A_379 : vector<16xi32>
        %parallel_loop3A_381 = arith.constant 0 : i32
        %parallel_loop3A_382 = arith.addi %parallel_loop3A_381, %parallel_loop3A_356 : i32
        %parallel_loop3A_383 = arith.index_cast %parallel_loop3A_382 : i32 to index
        %parallel_loop3A_384 = arith.constant 32 : index
        %parallel_loop3A_385 = tpu.vector_load %arg6[%parallel_loop3A_383, %parallel_loop3A_384] {strides = array<i32>} : memref<256x64xf32, #tpu.memory_space<vmem>>, vector<16xf32>,
        %parallel_loop3A_386 = arith.constant 4 : i32
        %parallel_loop3A_387 = vector.broadcast %parallel_loop3A_386 : i32 to vector<16xi32>
        %parallel_loop3A_388 = arith.addi %parallel_loop3A_387, %select_n3A_235 : vector<16xi32>
        tpu.vector_store_idx %arg8[%parallel_loop3A_360, %parallel_loop3A_388, %select_n3A_204, %parallel_loop3A_358], %parallel_loop3A_385 : memref<2x8x8x129xf32, #tpu.memory_space<vmem>>[vector<16xi32>, vector<16xi32>, vector<16xi32>, vector<16xi32>], vector<16xf32>,
        %parallel_loop3A_389 = vector.bitcast %parallel_loop3A_385 : vector<16xf32> to vector<16xi32>
        %parallel_loop3A_390 = arith.xori %parallel_loop3A_380, %parallel_loop3A_389 : vector<16xi32>
        %parallel_loop3A_391 = arith.constant 0 : i32
        %parallel_loop3A_392 = arith.addi %parallel_loop3A_391, %parallel_loop3A_356 : i32
        %parallel_loop3A_393 = arith.index_cast %parallel_loop3A_392 : i32 to index
        %parallel_loop3A_394 = arith.constant 48 : index
        %parallel_loop3A_395 = tpu.vector_load %arg6[%parallel_loop3A_393, %parallel_loop3A_394] {strides = array<i32>} : memref<256x64xf32, #tpu.memory_space<vmem>>, vector<16xf32>,
        %parallel_loop3A_396 = arith.constant 6 : i32
        %parallel_loop3A_397 = vector.broadcast %parallel_loop3A_396 : i32 to vector<16xi32>
        %parallel_loop3A_398 = arith.addi %parallel_loop3A_397, %select_n3A_235 : vector<16xi32>
        tpu.vector_store_idx %arg8[%parallel_loop3A_360, %parallel_loop3A_398, %select_n3A_204, %parallel_loop3A_358], %parallel_loop3A_395 : memref<2x8x8x129xf32, #tpu.memory_space<vmem>>[vector<16xi32>, vector<16xi32>, vector<16xi32>, vector<16xi32>], vector<16xf32>,
        %parallel_loop3A_399 = vector.bitcast %parallel_loop3A_395 : vector<16xf32> to vector<16xi32>
        %parallel_loop3A_400 = arith.xori %parallel_loop3A_390, %parallel_loop3A_399 : vector<16xi32>
        %parallel_loop3A_401 = arith.constant 1 : i32
        %parallel_loop3A_402 = vector.broadcast %parallel_loop3A_401 : i32 to vector<16xi32>
        %parallel_loop3A_403 = arith.constant 128 : i32
        %parallel_loop3A_404 = arith.addi %parallel_loop3A_403, %parallel_loop3A_356 : i32
        %parallel_loop3A_405 = arith.index_cast %parallel_loop3A_404 : i32 to index
        %parallel_loop3A_406 = arith.constant 0 : index
        %parallel_loop3A_407 = tpu.vector_load %arg6[%parallel_loop3A_405, %parallel_loop3A_406] {strides = array<i32>} : memref<256x64xf32, #tpu.memory_space<vmem>>, vector<16xf32>,
        %parallel_loop3A_408 = arith.constant 0 : i32
        %parallel_loop3A_409 = vector.broadcast %parallel_loop3A_408 : i32 to vector<16xi32>
        %parallel_loop3A_410 = arith.addi %parallel_loop3A_409, %select_n3A_235 : vector<16xi32>
        tpu.vector_store_idx %arg8[%parallel_loop3A_402, %parallel_loop3A_410, %select_n3A_204, %parallel_loop3A_358], %parallel_loop3A_407 : memref<2x8x8x129xf32, #tpu.memory_space<vmem>>[vector<16xi32>, vector<16xi32>, vector<16xi32>, vector<16xi32>], vector<16xf32>,
        %parallel_loop3A_411 = vector.bitcast %parallel_loop3A_407 : vector<16xf32> to vector<16xi32>
        %parallel_loop3A_412 = arith.xori %parallel_loop3A_400, %parallel_loop3A_411 : vector<16xi32>
        %parallel_loop3A_413 = arith.constant 128 : i32
        %parallel_loop3A_414 = arith.addi %parallel_loop3A_413, %parallel_loop3A_356 : i32
        %parallel_loop3A_415 = arith.index_cast %parallel_loop3A_414 : i32 to index
        %parallel_loop3A_416 = arith.constant 16 : index
        %parallel_loop3A_417 = tpu.vector_load %arg6[%parallel_loop3A_415, %parallel_loop3A_416] {strides = array<i32>} : memref<256x64xf32, #tpu.memory_space<vmem>>, vector<16xf32>,
        %parallel_loop3A_418 = arith.constant 2 : i32
        %parallel_loop3A_419 = vector.broadcast %parallel_loop3A_418 : i32 to vector<16xi32>
        %parallel_loop3A_420 = arith.addi %parallel_loop3A_419, %select_n3A_235 : vector<16xi32>
        tpu.vector_store_idx %arg8[%parallel_loop3A_402, %parallel_loop3A_420, %select_n3A_204, %parallel_loop3A_358], %parallel_loop3A_417 : memref<2x8x8x129xf32, #tpu.memory_space<vmem>>[vector<16xi32>, vector<16xi32>, vector<16xi32>, vector<16xi32>], vector<16xf32>,
        %parallel_loop3A_421 = vector.bitcast %parallel_loop3A_417 : vector<16xf32> to vector<16xi32>
        %parallel_loop3A_422 = arith.xori %parallel_loop3A_412, %parallel_loop3A_421 : vector<16xi32>
        %parallel_loop3A_423 = arith.constant 128 : i32
        %parallel_loop3A_424 = arith.addi %parallel_loop3A_423, %parallel_loop3A_356 : i32
        %parallel_loop3A_425 = arith.index_cast %parallel_loop3A_424 : i32 to index
        %parallel_loop3A_426 = arith.constant 32 : index
        %parallel_loop3A_427 = tpu.vector_load %arg6[%parallel_loop3A_425, %parallel_loop3A_426] {strides = array<i32>} : memref<256x64xf32, #tpu.memory_space<vmem>>, vector<16xf32>,
        %parallel_loop3A_428 = arith.constant 4 : i32
        %parallel_loop3A_429 = vector.broadcast %parallel_loop3A_428 : i32 to vector<16xi32>
        %parallel_loop3A_430 = arith.addi %parallel_loop3A_429, %select_n3A_235 : vector<16xi32>
        tpu.vector_store_idx %arg8[%parallel_loop3A_402, %parallel_loop3A_430, %select_n3A_204, %parallel_loop3A_358], %parallel_loop3A_427 : memref<2x8x8x129xf32, #tpu.memory_space<vmem>>[vector<16xi32>, vector<16xi32>, vector<16xi32>, vector<16xi32>], vector<16xf32>,
        %parallel_loop3A_431 = vector.bitcast %parallel_loop3A_427 : vector<16xf32> to vector<16xi32>
        %parallel_loop3A_432 = arith.xori %parallel_loop3A_422, %parallel_loop3A_431 : vector<16xi32>
        %parallel_loop3A_433 = arith.constant 128 : i32
        %parallel_loop3A_434 = arith.addi %parallel_loop3A_433, %parallel_loop3A_356 : i32
        %parallel_loop3A_435 = arith.index_cast %parallel_loop3A_434 : i32 to index
        %parallel_loop3A_436 = arith.constant 48 : index
        %parallel_loop3A_437 = tpu.vector_load %arg6[%parallel_loop3A_435, %parallel_loop3A_436] {strides = array<i32>} : memref<256x64xf32, #tpu.memory_space<vmem>>, vector<16xf32>,
        %parallel_loop3A_438 = arith.constant 6 : i32
        %parallel_loop3A_439 = vector.broadcast %parallel_loop3A_438 : i32 to vector<16xi32>
        %parallel_loop3A_440 = arith.addi %parallel_loop3A_439, %select_n3A_235 : vector<16xi32>
        tpu.vector_store_idx %arg8[%parallel_loop3A_402, %parallel_loop3A_440, %select_n3A_204, %parallel_loop3A_358], %parallel_loop3A_437 : memref<2x8x8x129xf32, #tpu.memory_space<vmem>>[vector<16xi32>, vector<16xi32>, vector<16xi32>, vector<16xi32>], vector<16xf32>,
        %parallel_loop3A_441 = vector.bitcast %parallel_loop3A_437 : vector<16xf32> to vector<16xi32>
        %parallel_loop3A_442 = arith.xori %parallel_loop3A_432, %parallel_loop3A_441 : vector<16xi32>
        scf.yield %parallel_loop3A_442 : vector<16xi32>
      } {sc.loop_unroll_factor = 2 : i64, sc.parallel_access}
      %reduce_sum3A = arith.constant true
      %reduce_sum3A_240 = vector.broadcast %reduce_sum3A : i1 to vector<16xi1>
      %reduce_sum3A_241 = tpu.scan <sum>, %parallel_loop3A_239 masked %reduce_sum3A_240 : vector<16xi32>, vector<16xi1> -> vector<16xi32>
      %reduce_sum3A_242 = vector.extract %reduce_sum3A_241[15] : i32 from vector<16xi32>
      %or3A = arith.constant 1 : i32
      %or3A_243 = arith.ori %reduce_sum3A_242, %or3A : i32
      %ne3A_244 = arith.constant 0 : i32
      %ne3A_245 = arith.cmpi ne, %or3A_243, %ne3A_244 : i32
      %convert_element_type3A_246 = arith.extui %ne3A_245 : i1 to i32
      %cond3A_247 = arith.constant 0 : i32
      %cond3A_248 = arith.cmpi ne, %convert_element_type3A_246, %cond3A_247 : i32
      scf.if %cond3A_248 {
        %add3A_356 = arith.constant 0 : i32
        %add3A_357 = arith.addi %mul3A_2, %add3A_356 : i32
        %add3A_358 = arith.constant 0 : i32
        %add3A_359 = arith.addi %add3A_357, %add3A_358 : i32
        %dma_start3A_360 = arith.constant 0 : i32
        %dma_start3A_361 = arith.constant 0 : i32
        %dma_start3A_362 = arith.constant 0 : i32
        %dma_start3A_363 = arith.constant 0 : i32
        %dma_start3A_364 = tpu.memref_slice %arg8[%dma_start3A_360, %dma_start3A_361, %dma_start3A_362, %dma_start3A_363] : memref<2x8x8x129xf32, #tpu.memory_space<vmem>> -> memref<1x8x8x128xf32, #tpu.memory_space<vmem>>
        %dma_start3A_365 = tpu.memref_squeeze %dma_start3A_364 : memref<1x8x8x128xf32, #tpu.memory_space<vmem>> -> memref<8x8x128xf32, #tpu.memory_space<vmem>>
        %dma_start3A_366 = arith.constant 0 : i32
        %dma_start3A_367 = arith.constant 0 : i32
        %dma_start3A_368 = arith.constant 0 : i32
        %dma_start3A_369 = tpu.memref_slice %arg4[%select_n3A, %dma_start3A_366, %add3A_359, %dma_start3A_367, %dma_start3A_368] : memref<50x8x128x8x128xf32, #tpu.memory_space<hbm>> -> memref<1x8x1x8x128xf32, #tpu.memory_space<hbm>>
        %dma_start3A_370 = tpu.memref_squeeze %dma_start3A_369 : memref<1x8x1x8x128xf32, #tpu.memory_space<hbm>> -> memref<8x8x128xf32, #tpu.memory_space<hbm>>
        %dma_start3A_371 = arith.constant 0 : i32
        %dma_start3A_372 = arith.constant 0 : i32
        %dma_start3A_373 = arith.constant 0 : i32
        %dma_start3A_374 = tpu.memref_slice %arg4[%select_n3A, %dma_start3A_371, %add3A_359, %dma_start3A_372, %dma_start3A_373] : memref<50x8x128x8x128xf32, #tpu.memory_space<hbm>> -> memref<1x8x1x8x128xf32, #tpu.memory_space<hbm>>
        %dma_start3A_375 = tpu.memref_squeeze %dma_start3A_374 : memref<1x8x1x8x128xf32, #tpu.memory_space<hbm>> -> memref<8x8x128xf32, #tpu.memory_space<hbm>>
        %dma_start3A_376 = arith.constant 0 : i32
        %dma_start3A_377 = arith.constant 0 : i32
        %dma_start3A_378 = arith.constant 0 : i32
        %dma_start3A_379 = tpu.memref_slice %arg8[%dma_start3A_360, %dma_start3A_376, %dma_start3A_377, %dma_start3A_378] : memref<2x8x8x129xf32, #tpu.memory_space<vmem>> -> memref<1x8x8x128xf32, #tpu.memory_space<vmem>>
        %dma_start3A_380 = tpu.memref_squeeze %dma_start3A_379 : memref<1x8x8x128xf32, #tpu.memory_space<vmem>> -> memref<8x8x128xf32, #tpu.memory_space<vmem>>
        tpu.enqueue_dma source(%dma_start3A_380 : memref<8x8x128xf32, #tpu.memory_space<vmem>>) target(%dma_start3A_375 : memref<8x8x128xf32, #tpu.memory_space<hbm>>) target_semaphore(%arg12 : memref<!tpu.dma_semaphore, #tpu.memory_space<semaphore_mem>>)
        %add3A_381 = arith.constant 0 : i32
        %add3A_382 = arith.addi %mul3A_2, %add3A_381 : i32
        %add3A_383 = arith.constant 1 : i32
        %add3A_384 = arith.addi %add3A_382, %add3A_383 : i32
        %dma_start3A_385 = arith.constant 1 : i32
        %dma_start3A_386 = arith.constant 0 : i32
        %dma_start3A_387 = arith.constant 0 : i32
        %dma_start3A_388 = arith.constant 0 : i32
        %dma_start3A_389 = tpu.memref_slice %arg8[%dma_start3A_385, %dma_start3A_386, %dma_start3A_387, %dma_start3A_388] : memref<2x8x8x129xf32, #tpu.memory_space<vmem>> -> memref<1x8x8x128xf32, #tpu.memory_space<vmem>>
        %dma_start3A_390 = tpu.memref_squeeze %dma_start3A_389 : memref<1x8x8x128xf32, #tpu.memory_space<vmem>> -> memref<8x8x128xf32, #tpu.memory_space<vmem>>
        %dma_start3A_391 = arith.constant 0 : i32
        %dma_start3A_392 = arith.constant 0 : i32
        %dma_start3A_393 = arith.constant 0 : i32
        %dma_start3A_394 = tpu.memref_slice %arg4[%select_n3A, %dma_start3A_391, %add3A_384, %dma_start3A_392, %dma_start3A_393] : memref<50x8x128x8x128xf32, #tpu.memory_space<hbm>> -> memref<1x8x1x8x128xf32, #tpu.memory_space<hbm>>
        %dma_start3A_395 = tpu.memref_squeeze %dma_start3A_394 : memref<1x8x1x8x128xf32, #tpu.memory_space<hbm>> -> memref<8x8x128xf32, #tpu.memory_space<hbm>>
        %dma_start3A_396 = arith.constant 0 : i32
        %dma_start3A_397 = arith.constant 0 : i32
        %dma_start3A_398 = arith.constant 0 : i32
        %dma_start3A_399 = tpu.memref_slice %arg4[%select_n3A, %dma_start3A_396, %add3A_384, %dma_start3A_397, %dma_start3A_398] : memref<50x8x128x8x128xf32, #tpu.memory_space<hbm>> -> memref<1x8x1x8x128xf32, #tpu.memory_space<hbm>>
        %dma_start3A_400 = tpu.memref_squeeze %dma_start3A_399 : memref<1x8x1x8x128xf32, #tpu.memory_space<hbm>> -> memref<8x8x128xf32, #tpu.memory_space<hbm>>
        %dma_start3A_401 = arith.constant 0 : i32
        %dma_start3A_402 = arith.constant 0 : i32
        %dma_start3A_403 = arith.constant 0 : i32
        %dma_start3A_404 = tpu.memref_slice %arg8[%dma_start3A_385, %dma_start3A_401, %dma_start3A_402, %dma_start3A_403] : memref<2x8x8x129xf32, #tpu.memory_space<vmem>> -> memref<1x8x8x128xf32, #tpu.memory_space<vmem>>
        %dma_start3A_405 = tpu.memref_squeeze %dma_start3A_404 : memref<1x8x8x128xf32, #tpu.memory_space<vmem>> -> memref<8x8x128xf32, #tpu.memory_space<vmem>>
        tpu.enqueue_dma source(%dma_start3A_405 : memref<8x8x128xf32, #tpu.memory_space<vmem>>) target(%dma_start3A_400 : memref<8x8x128xf32, #tpu.memory_space<hbm>>) target_semaphore(%arg12 : memref<!tpu.dma_semaphore, #tpu.memory_space<semaphore_mem>>)
      } else {
      }
      %add3A_249 = arith.constant 1 : i32
      %add3A_250 = arith.addi %add3A_135, %add3A_249 : i32
      %dma_wait3A_251 = arith.constant 2 : i32
      %dma_wait3A_252 = arith.constant 0 : i32
      %dma_wait3A_253 = arith.constant 0 : i32
      %dma_wait3A_254 = tpu.memref_slice %arg7[%dma_wait3A_252, %dma_wait3A_253] : memref<256x64xf32, #tpu.memory_space<vmem>> -> memref<128x64xf32, #tpu.memory_space<vmem>>
      %dma_wait3A_255 = arith.constant 0 : i32
      %dma_wait3A_256 = tpu.memref_slice %arg5[%select_n3A, %dma_wait3A_251, %dma_wait3A_255] : memref<50x4x128xi32, #tpu.memory_space<vmem>> -> memref<1x1x128xi32, #tpu.memory_space<vmem>>
      %dma_wait3A_257 = tpu.memref_squeeze %dma_wait3A_256 : memref<1x1x128xi32, #tpu.memory_space<vmem>> -> memref<128xi32, #tpu.memory_space<vmem>>
      %dma_wait3A_258 = arith.constant 0 : i32
      %dma_wait3A_259 = arith.constant 0 : i32
      %dma_wait3A_260 = tpu.memref_slice %arg3[%dma_wait3A_258, %dma_wait3A_259] : memref<1000000x64xf32, #tpu.memory_space<hbm>> -> memref<1000000x64xf32, #tpu.memory_space<hbm>>
      tpu.wait_indirect_dma semaphore(%arg11 : memref<!tpu.dma_semaphore, #tpu.memory_space<semaphore_mem>>) src(%dma_wait3A_260 : memref<1000000x64xf32, #tpu.memory_space<hbm>>) dst(%dma_wait3A_254 : memref<128x64xf32, #tpu.memory_space<vmem>>)
      %dma_wait3A_261 = arith.constant 3 : i32
      %dma_wait3A_262 = arith.constant 128 : i32
      %dma_wait3A_263 = arith.constant 0 : i32
      %dma_wait3A_264 = tpu.memref_slice %arg7[%dma_wait3A_262, %dma_wait3A_263] : memref<256x64xf32, #tpu.memory_space<vmem>> -> memref<128x64xf32, #tpu.memory_space<vmem>>
      %dma_wait3A_265 = arith.constant 0 : i32
      %dma_wait3A_266 = tpu.memref_slice %arg5[%select_n3A, %dma_wait3A_261, %dma_wait3A_265] : memref<50x4x128xi32, #tpu.memory_space<vmem>> -> memref<1x1x128xi32, #tpu.memory_space<vmem>>
      %dma_wait3A_267 = tpu.memref_squeeze %dma_wait3A_266 : memref<1x1x128xi32, #tpu.memory_space<vmem>> -> memref<128xi32, #tpu.memory_space<vmem>>
      %dma_wait3A_268 = arith.constant 0 : i32
      %dma_wait3A_269 = arith.constant 0 : i32
      %dma_wait3A_270 = tpu.memref_slice %arg3[%dma_wait3A_268, %dma_wait3A_269] : memref<1000000x64xf32, #tpu.memory_space<hbm>> -> memref<1000000x64xf32, #tpu.memory_space<hbm>>
      tpu.wait_indirect_dma semaphore(%arg11 : memref<!tpu.dma_semaphore, #tpu.memory_space<semaphore_mem>>) src(%dma_wait3A_270 : memref<1000000x64xf32, #tpu.memory_space<hbm>>) dst(%dma_wait3A_264 : memref<128x64xf32, #tpu.memory_space<vmem>>)
      %add3A_271 = arith.constant 1 : i32
      %add3A_272 = arith.addi %select_n3A, %add3A_271 : i32
      %add3A_273 = arith.constant 1 : i32
      %add3A_274 = arith.addi %add3A_250, %add3A_273 : i32
      %lt3A_275 = arith.constant 100 : i32
      %lt3A_276 = arith.cmpi slt, %add3A_274, %lt3A_275 : i32
      %convert_element_type3A_277 = arith.extui %lt3A_276 : i1 to i32
      %cond3A_278 = arith.constant 0 : i32
      %cond3A_279 = arith.cmpi ne, %convert_element_type3A_277, %cond3A_278 : i32
      scf.if %cond3A_279 {
        %dma_start3A_356 = arith.constant 0 : i32
        %dma_start3A_357 = arith.constant 0 : i32
        %dma_start3A_358 = arith.constant 0 : i32
        %dma_start3A_359 = tpu.memref_slice %arg6[%dma_start3A_357, %dma_start3A_358] : memref<256x64xf32, #tpu.memory_space<vmem>> -> memref<128x64xf32, #tpu.memory_space<vmem>>
        %dma_start3A_360 = arith.constant 0 : i32
        %dma_start3A_361 = tpu.memref_slice %arg5[%add3A_272, %dma_start3A_356, %dma_start3A_360] : memref<50x4x128xi32, #tpu.memory_space<vmem>> -> memref<1x1x128xi32, #tpu.memory_space<vmem>>
        %dma_start3A_362 = tpu.memref_squeeze %dma_start3A_361 : memref<1x1x128xi32, #tpu.memory_space<vmem>> -> memref<128xi32, #tpu.memory_space<vmem>>
        %dma_start3A_363 = arith.constant 0 : i32
        %dma_start3A_364 = arith.constant 0 : i32
        %dma_start3A_365 = tpu.memref_slice %arg3[%dma_start3A_363, %dma_start3A_364] : memref<1000000x64xf32, #tpu.memory_space<hbm>> -> memref<1000000x64xf32, #tpu.memory_space<hbm>>
        tpu.enqueue_indirect_dma source(%dma_start3A_365 : memref<1000000x64xf32, #tpu.memory_space<hbm>>) target(%dma_start3A_359 : memref<128x64xf32, #tpu.memory_space<vmem>>) offsets(%dma_start3A_362 : memref<128xi32, #tpu.memory_space<vmem>>) semaphore(%arg10 : memref<!tpu.dma_semaphore, #tpu.memory_space<semaphore_mem>>)
        %dma_start3A_366 = arith.constant 1 : i32
        %dma_start3A_367 = arith.constant 128 : i32
        %dma_start3A_368 = arith.constant 0 : i32
        %dma_start3A_369 = tpu.memref_slice %arg6[%dma_start3A_367, %dma_start3A_368] : memref<256x64xf32, #tpu.memory_space<vmem>> -> memref<128x64xf32, #tpu.memory_space<vmem>>
        %dma_start3A_370 = arith.constant 0 : i32
        %dma_start3A_371 = tpu.memref_slice %arg5[%add3A_272, %dma_start3A_366, %dma_start3A_370] : memref<50x4x128xi32, #tpu.memory_space<vmem>> -> memref<1x1x128xi32, #tpu.memory_space<vmem>>
        %dma_start3A_372 = tpu.memref_squeeze %dma_start3A_371 : memref<1x1x128xi32, #tpu.memory_space<vmem>> -> memref<128xi32, #tpu.memory_space<vmem>>
        %dma_start3A_373 = arith.constant 0 : i32
        %dma_start3A_374 = arith.constant 0 : i32
        %dma_start3A_375 = tpu.memref_slice %arg3[%dma_start3A_373, %dma_start3A_374] : memref<1000000x64xf32, #tpu.memory_space<hbm>> -> memref<1000000x64xf32, #tpu.memory_space<hbm>>
        tpu.enqueue_indirect_dma source(%dma_start3A_375 : memref<1000000x64xf32, #tpu.memory_space<hbm>>) target(%dma_start3A_369 : memref<128x64xf32, #tpu.memory_space<vmem>>) offsets(%dma_start3A_372 : memref<128xi32, #tpu.memory_space<vmem>>) semaphore(%arg10 : memref<!tpu.dma_semaphore, #tpu.memory_space<semaphore_mem>>)
      } else {
      }
      %ge3A_280 = arith.constant 2 : i32
      %ge3A_281 = arith.cmpi sge, %add3A_250, %ge3A_280 : i32
      %convert_element_type3A_282 = arith.extui %ge3A_281 : i1 to i32
      %cond3A_283 = arith.constant 0 : i32
      %cond3A_284 = arith.cmpi ne, %convert_element_type3A_282, %cond3A_283 : i32
      scf.if %cond3A_284 {
        %sub3A_356 = arith.constant 1 : i32
        %sub3A_357 = arith.subi %select_n3A, %sub3A_356 : i32
        %add3A_358 = arith.constant 2 : i32
        %add3A_359 = arith.addi %mul3A_2, %add3A_358 : i32
        %add3A_360 = arith.constant 0 : i32
        %add3A_361 = arith.addi %add3A_359, %add3A_360 : i32
        %dma_wait3A_362 = arith.constant 0 : i32
        %dma_wait3A_363 = arith.constant 0 : i32
        %dma_wait3A_364 = arith.constant 0 : i32
        %dma_wait3A_365 = arith.constant 0 : i32
        %dma_wait3A_366 = tpu.memref_slice %arg9[%dma_wait3A_362, %dma_wait3A_363, %dma_wait3A_364, %dma_wait3A_365] : memref<2x8x8x129xf32, #tpu.memory_space<vmem>> -> memref<1x8x8x128xf32, #tpu.memory_space<vmem>>
        %dma_wait3A_367 = tpu.memref_squeeze %dma_wait3A_366 : memref<1x8x8x128xf32, #tpu.memory_space<vmem>> -> memref<8x8x128xf32, #tpu.memory_space<vmem>>
        %dma_wait3A_368 = arith.constant 0 : i32
        %dma_wait3A_369 = arith.constant 0 : i32
        %dma_wait3A_370 = arith.constant 0 : i32
        %dma_wait3A_371 = tpu.memref_slice %arg4[%sub3A_357, %dma_wait3A_368, %add3A_361, %dma_wait3A_369, %dma_wait3A_370] : memref<50x8x128x8x128xf32, #tpu.memory_space<hbm>> -> memref<1x8x1x8x128xf32, #tpu.memory_space<hbm>>
        %dma_wait3A_372 = tpu.memref_squeeze %dma_wait3A_371 : memref<1x8x1x8x128xf32, #tpu.memory_space<hbm>> -> memref<8x8x128xf32, #tpu.memory_space<hbm>>
        %dma_wait3A_373 = arith.constant 0 : i32
        %dma_wait3A_374 = arith.constant 0 : i32
        %dma_wait3A_375 = arith.constant 0 : i32
        %dma_wait3A_376 = tpu.memref_slice %arg4[%sub3A_357, %dma_wait3A_373, %add3A_361, %dma_wait3A_374, %dma_wait3A_375] : memref<50x8x128x8x128xf32, #tpu.memory_space<hbm>> -> memref<1x8x1x8x128xf32, #tpu.memory_space<hbm>>
        %dma_wait3A_377 = tpu.memref_squeeze %dma_wait3A_376 : memref<1x8x1x8x128xf32, #tpu.memory_space<hbm>> -> memref<8x8x128xf32, #tpu.memory_space<hbm>>
        %dma_wait3A_378 = arith.constant 0 : i32
        %dma_wait3A_379 = arith.constant 0 : i32
        %dma_wait3A_380 = arith.constant 0 : i32
        %dma_wait3A_381 = tpu.memref_slice %arg9[%dma_wait3A_362, %dma_wait3A_378, %dma_wait3A_379, %dma_wait3A_380] : memref<2x8x8x129xf32, #tpu.memory_space<vmem>> -> memref<1x8x8x128xf32, #tpu.memory_space<vmem>>
        %dma_wait3A_382 = tpu.memref_squeeze %dma_wait3A_381 : memref<1x8x8x128xf32, #tpu.memory_space<vmem>> -> memref<8x8x128xf32, #tpu.memory_space<vmem>>
        tpu.wait_dma2 semaphore(%arg13 : memref<!tpu.dma_semaphore, #tpu.memory_space<semaphore_mem>>) src(%dma_wait3A_382 : memref<8x8x128xf32, #tpu.memory_space<vmem>>) dst(%dma_wait3A_377 : memref<8x8x128xf32, #tpu.memory_space<hbm>>)
        %sub3A_383 = arith.constant 1 : i32
        %sub3A_384 = arith.subi %select_n3A, %sub3A_383 : i32
        %add3A_385 = arith.constant 2 : i32
        %add3A_386 = arith.addi %mul3A_2, %add3A_385 : i32
        %add3A_387 = arith.constant 1 : i32
        %add3A_388 = arith.addi %add3A_386, %add3A_387 : i32
        %dma_wait3A_389 = arith.constant 1 : i32
        %dma_wait3A_390 = arith.constant 0 : i32
        %dma_wait3A_391 = arith.constant 0 : i32
        %dma_wait3A_392 = arith.constant 0 : i32
        %dma_wait3A_393 = tpu.memref_slice %arg9[%dma_wait3A_389, %dma_wait3A_390, %dma_wait3A_391, %dma_wait3A_392] : memref<2x8x8x129xf32, #tpu.memory_space<vmem>> -> memref<1x8x8x128xf32, #tpu.memory_space<vmem>>
        %dma_wait3A_394 = tpu.memref_squeeze %dma_wait3A_393 : memref<1x8x8x128xf32, #tpu.memory_space<vmem>> -> memref<8x8x128xf32, #tpu.memory_space<vmem>>
        %dma_wait3A_395 = arith.constant 0 : i32
        %dma_wait3A_396 = arith.constant 0 : i32
        %dma_wait3A_397 = arith.constant 0 : i32
        %dma_wait3A_398 = tpu.memref_slice %arg4[%sub3A_384, %dma_wait3A_395, %add3A_388, %dma_wait3A_396, %dma_wait3A_397] : memref<50x8x128x8x128xf32, #tpu.memory_space<hbm>> -> memref<1x8x1x8x128xf32, #tpu.memory_space<hbm>>
        %dma_wait3A_399 = tpu.memref_squeeze %dma_wait3A_398 : memref<1x8x1x8x128xf32, #tpu.memory_space<hbm>> -> memref<8x8x128xf32, #tpu.memory_space<hbm>>
        %dma_wait3A_400 = arith.constant 0 : i32
        %dma_wait3A_401 = arith.constant 0 : i32
        %dma_wait3A_402 = arith.constant 0 : i32
        %dma_wait3A_403 = tpu.memref_slice %arg4[%sub3A_384, %dma_wait3A_400, %add3A_388, %dma_wait3A_401, %dma_wait3A_402] : memref<50x8x128x8x128xf32, #tpu.memory_space<hbm>> -> memref<1x8x1x8x128xf32, #tpu.memory_space<hbm>>
        %dma_wait3A_404 = tpu.memref_squeeze %dma_wait3A_403 : memref<1x8x1x8x128xf32, #tpu.memory_space<hbm>> -> memref<8x8x128xf32, #tpu.memory_space<hbm>>
        %dma_wait3A_405 = arith.constant 0 : i32
        %dma_wait3A_406 = arith.constant 0 : i32
        %dma_wait3A_407 = arith.constant 0 : i32
        %dma_wait3A_408 = tpu.memref_slice %arg9[%dma_wait3A_389, %dma_wait3A_405, %dma_wait3A_406, %dma_wait3A_407] : memref<2x8x8x129xf32, #tpu.memory_space<vmem>> -> memref<1x8x8x128xf32, #tpu.memory_space<vmem>>
        %dma_wait3A_409 = tpu.memref_squeeze %dma_wait3A_408 : memref<1x8x8x128xf32, #tpu.memory_space<vmem>> -> memref<8x8x128xf32, #tpu.memory_space<vmem>>
        tpu.wait_dma2 semaphore(%arg13 : memref<!tpu.dma_semaphore, #tpu.memory_space<semaphore_mem>>) src(%dma_wait3A_409 : memref<8x8x128xf32, #tpu.memory_space<vmem>>) dst(%dma_wait3A_404 : memref<8x8x128xf32, #tpu.memory_space<hbm>>)
      } else {
      }
      %iota3A_285 = tpu.iota {dimensions = array<i32: 0>} : vector<16xi32>
      %jit3A_286 = arith.constant 8 : i32
      %eq3A_287 = arith.constant 0 : i32
      %eq3A_288 = arith.cmpi eq, %jit3A_286, %eq3A_287 : i32
      %jit3A_289 = arith.constant 1 : i32
      %select_n3A_290 = arith.select %eq3A_288, %jit3A_289, %jit3A_286 : i32
      %rem3A_291 = vector.broadcast %select_n3A_290 : i32 to vector<16xi32>
      %rem3A_292 = arith.remsi %iota3A_285, %rem3A_291 : vector<16xi32>
      %ne3A_293 = arith.constant 0 : i32
      %ne3A_294 = vector.broadcast %ne3A_293 : i32 to vector<16xi32>
      %ne3A_295 = arith.cmpi ne, %rem3A_292, %ne3A_294 : vector<16xi32>
      %lt3A_296 = arith.constant 0 : i32
      %lt3A_297 = vector.broadcast %lt3A_296 : i32 to vector<16xi32>
      %lt3A_298 = arith.cmpi slt, %rem3A_292, %lt3A_297 : vector<16xi32>
      %lt3A_299 = arith.constant 0 : i32
      %lt3A_300 = arith.cmpi slt, %select_n3A_290, %lt3A_299 : i32
      %ne3A_301 = vector.broadcast %lt3A_300 : i1 to vector<16xi1>
      %ne3A_302 = vector.broadcast %ne3A_301 : vector<16xi1> to vector<16xi1>
      %ne3A_303 = arith.xori %lt3A_298, %ne3A_302 : vector<16xi1>
      %and3A_304 = arith.andi %ne3A_303, %ne3A_295 : vector<16xi1>
      %add3A_305 = vector.broadcast %select_n3A_290 : i32 to vector<16xi32>
      %add3A_306 = arith.addi %rem3A_292, %add3A_305 : vector<16xi32>
      %select_n3A_307 = arith.select %and3A_304, %add3A_306, %rem3A_292 : vector<16xi1>, vector<16xi32>
      %jit3A_308 = arith.constant 8 : i32
      %div3A_309 = vector.broadcast %jit3A_308 : i32 to vector<16xi32>
      %div3A_310 = arith.divsi %iota3A_285, %div3A_309 : vector<16xi32>
      %sign3A_311 = arith.constant 0 : i32
      %sign3A_312 = vector.broadcast %sign3A_311 : i32 to vector<16xi32>
      %sign3A_313 = arith.cmpi sgt, %iota3A_285, %sign3A_312 : vector<16xi32>
      %sign3A_314 = arith.extui %sign3A_313 : vector<16xi1> to vector<16xi32>
      %sign3A_315 = arith.constant 0 : i32
      %sign3A_316 = vector.broadcast %sign3A_315 : i32 to vector<16xi32>
      %sign3A_317 = arith.cmpi slt, %iota3A_285, %sign3A_316 : vector<16xi32>
      %sign3A_318 = arith.extui %sign3A_317 : vector<16xi1> to vector<16xi32>
      %sign3A_319 = arith.subi %sign3A_314, %sign3A_318 : vector<16xi32>
      %sign3A_320 = arith.constant 0 : i32
      %sign3A_321 = arith.cmpi sgt, %jit3A_308, %sign3A_320 : i32
      %sign3A_322 = arith.extui %sign3A_321 : i1 to i32
      %sign3A_323 = arith.constant 0 : i32
      %sign3A_324 = arith.cmpi slt, %jit3A_308, %sign3A_323 : i32
      %sign3A_325 = arith.extui %sign3A_324 : i1 to i32
      %sign3A_326 = arith.subi %sign3A_322, %sign3A_325 : i32
      %ne3A_327 = vector.broadcast %sign3A_326 : i32 to vector<16xi32>
      %ne3A_328 = arith.cmpi ne, %sign3A_319, %ne3A_327 : vector<16xi32>
      %rem3A_329 = vector.broadcast %jit3A_308 : i32 to vector<16xi32>
      %rem3A_330 = arith.remsi %iota3A_285, %rem3A_329 : vector<16xi32>
      %ne3A_331 = arith.constant 0 : i32
      %ne3A_332 = vector.broadcast %ne3A_331 : i32 to vector<16xi32>
      %ne3A_333 = arith.cmpi ne, %rem3A_330, %ne3A_332 : vector<16xi32>
      %and3A_334 = arith.andi %ne3A_328, %ne3A_333 : vector<16xi1>
      %sub3A_335 = arith.constant 1 : i32
      %sub3A_336 = vector.broadcast %sub3A_335 : i32 to vector<16xi32>
      %sub3A_337 = arith.subi %div3A_310, %sub3A_336 : vector<16xi32>
      %select_n3A_338 = arith.select %and3A_334, %sub3A_337, %div3A_310 : vector<16xi1>, vector<16xi32>
      %broadcast_in_dim3A_339 = arith.constant 0 : i32
      %broadcast_in_dim3A_340 = vector.broadcast %broadcast_in_dim3A_339 : i32 to vector<16xi32>
      %parallel_loop3A_341 = arith.constant 0 : i32
      %parallel_loop3A_342 = arith.constant 128 : i32
      %parallel_loop3A_343 = arith.constant 1 : i32
      %parallel_loop3A_344 = scf.for %parallel_loop3A_356 = %parallel_loop3A_341 to %parallel_loop3A_342 step %parallel_loop3A_343 iter_args(%parallel_loop3A_357 = %broadcast_in_dim3A_340) -> (vector<16xi32>)  : i32 {
        %parallel_loop3A_358 = vector.broadcast %parallel_loop3A_356 : i32 to vector<16xi32>
        %parallel_loop3A_359 = arith.constant 0 : i32
        %parallel_loop3A_360 = vector.broadcast %parallel_loop3A_359 : i32 to vector<16xi32>
        %parallel_loop3A_361 = arith.constant 0 : i32
        %parallel_loop3A_362 = arith.addi %parallel_loop3A_361, %parallel_loop3A_356 : i32
        %parallel_loop3A_363 = arith.index_cast %parallel_loop3A_362 : i32 to index
        %parallel_loop3A_364 = arith.constant 0 : index
        %parallel_loop3A_365 = tpu.vector_load %arg7[%parallel_loop3A_363, %parallel_loop3A_364] {strides = array<i32>} : memref<256x64xf32, #tpu.memory_space<vmem>>, vector<16xf32>,
        %parallel_loop3A_366 = arith.constant 0 : i32
        %parallel_loop3A_367 = vector.broadcast %parallel_loop3A_366 : i32 to vector<16xi32>
        %parallel_loop3A_368 = arith.addi %parallel_loop3A_367, %select_n3A_338 : vector<16xi32>
        tpu.vector_store_idx %arg9[%parallel_loop3A_360, %parallel_loop3A_368, %select_n3A_307, %parallel_loop3A_358], %parallel_loop3A_365 : memref<2x8x8x129xf32, #tpu.memory_space<vmem>>[vector<16xi32>, vector<16xi32>, vector<16xi32>, vector<16xi32>], vector<16xf32>,
        %parallel_loop3A_369 = vector.bitcast %parallel_loop3A_365 : vector<16xf32> to vector<16xi32>
        %parallel_loop3A_370 = arith.xori %parallel_loop3A_357, %parallel_loop3A_369 : vector<16xi32>
        %parallel_loop3A_371 = arith.constant 0 : i32
        %parallel_loop3A_372 = arith.addi %parallel_loop3A_371, %parallel_loop3A_356 : i32
        %parallel_loop3A_373 = arith.index_cast %parallel_loop3A_372 : i32 to index
        %parallel_loop3A_374 = arith.constant 16 : index
        %parallel_loop3A_375 = tpu.vector_load %arg7[%parallel_loop3A_373, %parallel_loop3A_374] {strides = array<i32>} : memref<256x64xf32, #tpu.memory_space<vmem>>, vector<16xf32>,
        %parallel_loop3A_376 = arith.constant 2 : i32
        %parallel_loop3A_377 = vector.broadcast %parallel_loop3A_376 : i32 to vector<16xi32>
        %parallel_loop3A_378 = arith.addi %parallel_loop3A_377, %select_n3A_338 : vector<16xi32>
        tpu.vector_store_idx %arg9[%parallel_loop3A_360, %parallel_loop3A_378, %select_n3A_307, %parallel_loop3A_358], %parallel_loop3A_375 : memref<2x8x8x129xf32, #tpu.memory_space<vmem>>[vector<16xi32>, vector<16xi32>, vector<16xi32>, vector<16xi32>], vector<16xf32>,
        %parallel_loop3A_379 = vector.bitcast %parallel_loop3A_375 : vector<16xf32> to vector<16xi32>
        %parallel_loop3A_380 = arith.xori %parallel_loop3A_370, %parallel_loop3A_379 : vector<16xi32>
        %parallel_loop3A_381 = arith.constant 0 : i32
        %parallel_loop3A_382 = arith.addi %parallel_loop3A_381, %parallel_loop3A_356 : i32
        %parallel_loop3A_383 = arith.index_cast %parallel_loop3A_382 : i32 to index
        %parallel_loop3A_384 = arith.constant 32 : index
        %parallel_loop3A_385 = tpu.vector_load %arg7[%parallel_loop3A_383, %parallel_loop3A_384] {strides = array<i32>} : memref<256x64xf32, #tpu.memory_space<vmem>>, vector<16xf32>,
        %parallel_loop3A_386 = arith.constant 4 : i32
        %parallel_loop3A_387 = vector.broadcast %parallel_loop3A_386 : i32 to vector<16xi32>
        %parallel_loop3A_388 = arith.addi %parallel_loop3A_387, %select_n3A_338 : vector<16xi32>
        tpu.vector_store_idx %arg9[%parallel_loop3A_360, %parallel_loop3A_388, %select_n3A_307, %parallel_loop3A_358], %parallel_loop3A_385 : memref<2x8x8x129xf32, #tpu.memory_space<vmem>>[vector<16xi32>, vector<16xi32>, vector<16xi32>, vector<16xi32>], vector<16xf32>,
        %parallel_loop3A_389 = vector.bitcast %parallel_loop3A_385 : vector<16xf32> to vector<16xi32>
        %parallel_loop3A_390 = arith.xori %parallel_loop3A_380, %parallel_loop3A_389 : vector<16xi32>
        %parallel_loop3A_391 = arith.constant 0 : i32
        %parallel_loop3A_392 = arith.addi %parallel_loop3A_391, %parallel_loop3A_356 : i32
        %parallel_loop3A_393 = arith.index_cast %parallel_loop3A_392 : i32 to index
        %parallel_loop3A_394 = arith.constant 48 : index
        %parallel_loop3A_395 = tpu.vector_load %arg7[%parallel_loop3A_393, %parallel_loop3A_394] {strides = array<i32>} : memref<256x64xf32, #tpu.memory_space<vmem>>, vector<16xf32>,
        %parallel_loop3A_396 = arith.constant 6 : i32
        %parallel_loop3A_397 = vector.broadcast %parallel_loop3A_396 : i32 to vector<16xi32>
        %parallel_loop3A_398 = arith.addi %parallel_loop3A_397, %select_n3A_338 : vector<16xi32>
        tpu.vector_store_idx %arg9[%parallel_loop3A_360, %parallel_loop3A_398, %select_n3A_307, %parallel_loop3A_358], %parallel_loop3A_395 : memref<2x8x8x129xf32, #tpu.memory_space<vmem>>[vector<16xi32>, vector<16xi32>, vector<16xi32>, vector<16xi32>], vector<16xf32>,
        %parallel_loop3A_399 = vector.bitcast %parallel_loop3A_395 : vector<16xf32> to vector<16xi32>
        %parallel_loop3A_400 = arith.xori %parallel_loop3A_390, %parallel_loop3A_399 : vector<16xi32>
        %parallel_loop3A_401 = arith.constant 1 : i32
        %parallel_loop3A_402 = vector.broadcast %parallel_loop3A_401 : i32 to vector<16xi32>
        %parallel_loop3A_403 = arith.constant 128 : i32
        %parallel_loop3A_404 = arith.addi %parallel_loop3A_403, %parallel_loop3A_356 : i32
        %parallel_loop3A_405 = arith.index_cast %parallel_loop3A_404 : i32 to index
        %parallel_loop3A_406 = arith.constant 0 : index
        %parallel_loop3A_407 = tpu.vector_load %arg7[%parallel_loop3A_405, %parallel_loop3A_406] {strides = array<i32>} : memref<256x64xf32, #tpu.memory_space<vmem>>, vector<16xf32>,
        %parallel_loop3A_408 = arith.constant 0 : i32
        %parallel_loop3A_409 = vector.broadcast %parallel_loop3A_408 : i32 to vector<16xi32>
        %parallel_loop3A_410 = arith.addi %parallel_loop3A_409, %select_n3A_338 : vector<16xi32>
        tpu.vector_store_idx %arg9[%parallel_loop3A_402, %parallel_loop3A_410, %select_n3A_307, %parallel_loop3A_358], %parallel_loop3A_407 : memref<2x8x8x129xf32, #tpu.memory_space<vmem>>[vector<16xi32>, vector<16xi32>, vector<16xi32>, vector<16xi32>], vector<16xf32>,
        %parallel_loop3A_411 = vector.bitcast %parallel_loop3A_407 : vector<16xf32> to vector<16xi32>
        %parallel_loop3A_412 = arith.xori %parallel_loop3A_400, %parallel_loop3A_411 : vector<16xi32>
        %parallel_loop3A_413 = arith.constant 128 : i32
        %parallel_loop3A_414 = arith.addi %parallel_loop3A_413, %parallel_loop3A_356 : i32
        %parallel_loop3A_415 = arith.index_cast %parallel_loop3A_414 : i32 to index
        %parallel_loop3A_416 = arith.constant 16 : index
        %parallel_loop3A_417 = tpu.vector_load %arg7[%parallel_loop3A_415, %parallel_loop3A_416] {strides = array<i32>} : memref<256x64xf32, #tpu.memory_space<vmem>>, vector<16xf32>,
        %parallel_loop3A_418 = arith.constant 2 : i32
        %parallel_loop3A_419 = vector.broadcast %parallel_loop3A_418 : i32 to vector<16xi32>
        %parallel_loop3A_420 = arith.addi %parallel_loop3A_419, %select_n3A_338 : vector<16xi32>
        tpu.vector_store_idx %arg9[%parallel_loop3A_402, %parallel_loop3A_420, %select_n3A_307, %parallel_loop3A_358], %parallel_loop3A_417 : memref<2x8x8x129xf32, #tpu.memory_space<vmem>>[vector<16xi32>, vector<16xi32>, vector<16xi32>, vector<16xi32>], vector<16xf32>,
        %parallel_loop3A_421 = vector.bitcast %parallel_loop3A_417 : vector<16xf32> to vector<16xi32>
        %parallel_loop3A_422 = arith.xori %parallel_loop3A_412, %parallel_loop3A_421 : vector<16xi32>
        %parallel_loop3A_423 = arith.constant 128 : i32
        %parallel_loop3A_424 = arith.addi %parallel_loop3A_423, %parallel_loop3A_356 : i32
        %parallel_loop3A_425 = arith.index_cast %parallel_loop3A_424 : i32 to index
        %parallel_loop3A_426 = arith.constant 32 : index
        %parallel_loop3A_427 = tpu.vector_load %arg7[%parallel_loop3A_425, %parallel_loop3A_426] {strides = array<i32>} : memref<256x64xf32, #tpu.memory_space<vmem>>, vector<16xf32>,
        %parallel_loop3A_428 = arith.constant 4 : i32
        %parallel_loop3A_429 = vector.broadcast %parallel_loop3A_428 : i32 to vector<16xi32>
        %parallel_loop3A_430 = arith.addi %parallel_loop3A_429, %select_n3A_338 : vector<16xi32>
        tpu.vector_store_idx %arg9[%parallel_loop3A_402, %parallel_loop3A_430, %select_n3A_307, %parallel_loop3A_358], %parallel_loop3A_427 : memref<2x8x8x129xf32, #tpu.memory_space<vmem>>[vector<16xi32>, vector<16xi32>, vector<16xi32>, vector<16xi32>], vector<16xf32>,
        %parallel_loop3A_431 = vector.bitcast %parallel_loop3A_427 : vector<16xf32> to vector<16xi32>
        %parallel_loop3A_432 = arith.xori %parallel_loop3A_422, %parallel_loop3A_431 : vector<16xi32>
        %parallel_loop3A_433 = arith.constant 128 : i32
        %parallel_loop3A_434 = arith.addi %parallel_loop3A_433, %parallel_loop3A_356 : i32
        %parallel_loop3A_435 = arith.index_cast %parallel_loop3A_434 : i32 to index
        %parallel_loop3A_436 = arith.constant 48 : index
        %parallel_loop3A_437 = tpu.vector_load %arg7[%parallel_loop3A_435, %parallel_loop3A_436] {strides = array<i32>} : memref<256x64xf32, #tpu.memory_space<vmem>>, vector<16xf32>,
        %parallel_loop3A_438 = arith.constant 6 : i32
        %parallel_loop3A_439 = vector.broadcast %parallel_loop3A_438 : i32 to vector<16xi32>
        %parallel_loop3A_440 = arith.addi %parallel_loop3A_439, %select_n3A_338 : vector<16xi32>
        tpu.vector_store_idx %arg9[%parallel_loop3A_402, %parallel_loop3A_440, %select_n3A_307, %parallel_loop3A_358], %parallel_loop3A_437 : memref<2x8x8x129xf32, #tpu.memory_space<vmem>>[vector<16xi32>, vector<16xi32>, vector<16xi32>, vector<16xi32>], vector<16xf32>,
        %parallel_loop3A_441 = vector.bitcast %parallel_loop3A_437 : vector<16xf32> to vector<16xi32>
        %parallel_loop3A_442 = arith.xori %parallel_loop3A_432, %parallel_loop3A_441 : vector<16xi32>
        scf.yield %parallel_loop3A_442 : vector<16xi32>
      } {sc.loop_unroll_factor = 2 : i64, sc.parallel_access}
      %reduce_sum3A_345 = arith.constant true
      %reduce_sum3A_346 = vector.broadcast %reduce_sum3A_345 : i1 to vector<16xi1>
      %reduce_sum3A_347 = tpu.scan <sum>, %parallel_loop3A_344 masked %reduce_sum3A_346 : vector<16xi32>, vector<16xi1> -> vector<16xi32>
      %reduce_sum3A_348 = vector.extract %reduce_sum3A_347[15] : i32 from vector<16xi32>
      %or3A_349 = arith.constant 1 : i32
      %or3A_350 = arith.ori %reduce_sum3A_348, %or3A_349 : i32
      %ne3A_351 = arith.constant 0 : i32
      %ne3A_352 = arith.cmpi ne, %or3A_350, %ne3A_351 : i32
      %convert_element_type3A_353 = arith.extui %ne3A_352 : i1 to i32
      %cond3A_354 = arith.constant 0 : i32
      %cond3A_355 = arith.cmpi ne, %convert_element_type3A_353, %cond3A_354 : i32
      scf.if %cond3A_355 {
        %add3A_356 = arith.constant 2 : i32
        %add3A_357 = arith.addi %mul3A_2, %add3A_356 : i32
        %add3A_358 = arith.constant 0 : i32
        %add3A_359 = arith.addi %add3A_357, %add3A_358 : i32
        %dma_start3A_360 = arith.constant 0 : i32
        %dma_start3A_361 = arith.constant 0 : i32
        %dma_start3A_362 = arith.constant 0 : i32
        %dma_start3A_363 = arith.constant 0 : i32
        %dma_start3A_364 = tpu.memref_slice %arg9[%dma_start3A_360, %dma_start3A_361, %dma_start3A_362, %dma_start3A_363] : memref<2x8x8x129xf32, #tpu.memory_space<vmem>> -> memref<1x8x8x128xf32, #tpu.memory_space<vmem>>
        %dma_start3A_365 = tpu.memref_squeeze %dma_start3A_364 : memref<1x8x8x128xf32, #tpu.memory_space<vmem>> -> memref<8x8x128xf32, #tpu.memory_space<vmem>>
        %dma_start3A_366 = arith.constant 0 : i32
        %dma_start3A_367 = arith.constant 0 : i32
        %dma_start3A_368 = arith.constant 0 : i32
        %dma_start3A_369 = tpu.memref_slice %arg4[%select_n3A, %dma_start3A_366, %add3A_359, %dma_start3A_367, %dma_start3A_368] : memref<50x8x128x8x128xf32, #tpu.memory_space<hbm>> -> memref<1x8x1x8x128xf32, #tpu.memory_space<hbm>>
        %dma_start3A_370 = tpu.memref_squeeze %dma_start3A_369 : memref<1x8x1x8x128xf32, #tpu.memory_space<hbm>> -> memref<8x8x128xf32, #tpu.memory_space<hbm>>
        %dma_start3A_371 = arith.constant 0 : i32
        %dma_start3A_372 = arith.constant 0 : i32
        %dma_start3A_373 = arith.constant 0 : i32
        %dma_start3A_374 = tpu.memref_slice %arg4[%select_n3A, %dma_start3A_371, %add3A_359, %dma_start3A_372, %dma_start3A_373] : memref<50x8x128x8x128xf32, #tpu.memory_space<hbm>> -> memref<1x8x1x8x128xf32, #tpu.memory_space<hbm>>
        %dma_start3A_375 = tpu.memref_squeeze %dma_start3A_374 : memref<1x8x1x8x128xf32, #tpu.memory_space<hbm>> -> memref<8x8x128xf32, #tpu.memory_space<hbm>>
        %dma_start3A_376 = arith.constant 0 : i32
        %dma_start3A_377 = arith.constant 0 : i32
        %dma_start3A_378 = arith.constant 0 : i32
        %dma_start3A_379 = tpu.memref_slice %arg9[%dma_start3A_360, %dma_start3A_376, %dma_start3A_377, %dma_start3A_378] : memref<2x8x8x129xf32, #tpu.memory_space<vmem>> -> memref<1x8x8x128xf32, #tpu.memory_space<vmem>>
        %dma_start3A_380 = tpu.memref_squeeze %dma_start3A_379 : memref<1x8x8x128xf32, #tpu.memory_space<vmem>> -> memref<8x8x128xf32, #tpu.memory_space<vmem>>
        tpu.enqueue_dma source(%dma_start3A_380 : memref<8x8x128xf32, #tpu.memory_space<vmem>>) target(%dma_start3A_375 : memref<8x8x128xf32, #tpu.memory_space<hbm>>) target_semaphore(%arg13 : memref<!tpu.dma_semaphore, #tpu.memory_space<semaphore_mem>>)
        %add3A_381 = arith.constant 2 : i32
        %add3A_382 = arith.addi %mul3A_2, %add3A_381 : i32
        %add3A_383 = arith.constant 1 : i32
        %add3A_384 = arith.addi %add3A_382, %add3A_383 : i32
        %dma_start3A_385 = arith.constant 1 : i32
        %dma_start3A_386 = arith.constant 0 : i32
        %dma_start3A_387 = arith.constant 0 : i32
        %dma_start3A_388 = arith.constant 0 : i32
        %dma_start3A_389 = tpu.memref_slice %arg9[%dma_start3A_385, %dma_start3A_386, %dma_start3A_387, %dma_start3A_388] : memref<2x8x8x129xf32, #tpu.memory_space<vmem>> -> memref<1x8x8x128xf32, #tpu.memory_space<vmem>>
        %dma_start3A_390 = tpu.memref_squeeze %dma_start3A_389 : memref<1x8x8x128xf32, #tpu.memory_space<vmem>> -> memref<8x8x128xf32, #tpu.memory_space<vmem>>
        %dma_start3A_391 = arith.constant 0 : i32
        %dma_start3A_392 = arith.constant 0 : i32
        %dma_start3A_393 = arith.constant 0 : i32
        %dma_start3A_394 = tpu.memref_slice %arg4[%select_n3A, %dma_start3A_391, %add3A_384, %dma_start3A_392, %dma_start3A_393] : memref<50x8x128x8x128xf32, #tpu.memory_space<hbm>> -> memref<1x8x1x8x128xf32, #tpu.memory_space<hbm>>
        %dma_start3A_395 = tpu.memref_squeeze %dma_start3A_394 : memref<1x8x1x8x128xf32, #tpu.memory_space<hbm>> -> memref<8x8x128xf32, #tpu.memory_space<hbm>>
        %dma_start3A_396 = arith.constant 0 : i32
        %dma_start3A_397 = arith.constant 0 : i32
        %dma_start3A_398 = arith.constant 0 : i32
        %dma_start3A_399 = tpu.memref_slice %arg4[%select_n3A, %dma_start3A_396, %add3A_384, %dma_start3A_397, %dma_start3A_398] : memref<50x8x128x8x128xf32, #tpu.memory_space<hbm>> -> memref<1x8x1x8x128xf32, #tpu.memory_space<hbm>>
        %dma_start3A_400 = tpu.memref_squeeze %dma_start3A_399 : memref<1x8x1x8x128xf32, #tpu.memory_space<hbm>> -> memref<8x8x128xf32, #tpu.memory_space<hbm>>
        %dma_start3A_401 = arith.constant 0 : i32
        %dma_start3A_402 = arith.constant 0 : i32
        %dma_start3A_403 = arith.constant 0 : i32
        %dma_start3A_404 = tpu.memref_slice %arg9[%dma_start3A_385, %dma_start3A_401, %dma_start3A_402, %dma_start3A_403] : memref<2x8x8x129xf32, #tpu.memory_space<vmem>> -> memref<1x8x8x128xf32, #tpu.memory_space<vmem>>
        %dma_start3A_405 = tpu.memref_squeeze %dma_start3A_404 : memref<1x8x8x128xf32, #tpu.memory_space<vmem>> -> memref<8x8x128xf32, #tpu.memory_space<vmem>>
        tpu.enqueue_dma source(%dma_start3A_405 : memref<8x8x128xf32, #tpu.memory_space<vmem>>) target(%dma_start3A_400 : memref<8x8x128xf32, #tpu.memory_space<hbm>>) target_semaphore(%arg13 : memref<!tpu.dma_semaphore, #tpu.memory_space<semaphore_mem>>)
      } else {
      }
    }
    %scan3A_27 = arith.constant 50 : i32
    %add3A_28 = arith.constant 0 : i32
    %add3A_29 = arith.addi %mul3A_2, %add3A_28 : i32
    %add3A_30 = arith.constant 0 : i32
    %add3A_31 = arith.addi %add3A_29, %add3A_30 : i32
    %dma_wait3A = arith.constant 0 : i32
    %dma_wait3A_32 = arith.constant 49 : i32
    %dma_wait3A_33 = arith.constant 0 : i32
    %dma_wait3A_34 = arith.constant 0 : i32
    %dma_wait3A_35 = arith.constant 0 : i32
    %dma_wait3A_36 = tpu.memref_slice %arg8[%dma_wait3A, %dma_wait3A_33, %dma_wait3A_34, %dma_wait3A_35] : memref<2x8x8x129xf32, #tpu.memory_space<vmem>> -> memref<1x8x8x128xf32, #tpu.memory_space<vmem>>
    %dma_wait3A_37 = tpu.memref_squeeze %dma_wait3A_36 : memref<1x8x8x128xf32, #tpu.memory_space<vmem>> -> memref<8x8x128xf32, #tpu.memory_space<vmem>>
    %dma_wait3A_38 = arith.constant 0 : i32
    %dma_wait3A_39 = arith.constant 0 : i32
    %dma_wait3A_40 = arith.constant 0 : i32
    %dma_wait3A_41 = tpu.memref_slice %arg4[%dma_wait3A_32, %dma_wait3A_38, %add3A_31, %dma_wait3A_39, %dma_wait3A_40] : memref<50x8x128x8x128xf32, #tpu.memory_space<hbm>> -> memref<1x8x1x8x128xf32, #tpu.memory_space<hbm>>
    %dma_wait3A_42 = tpu.memref_squeeze %dma_wait3A_41 : memref<1x8x1x8x128xf32, #tpu.memory_space<hbm>> -> memref<8x8x128xf32, #tpu.memory_space<hbm>>
    %dma_wait3A_43 = arith.constant 0 : i32
    %dma_wait3A_44 = arith.constant 0 : i32
    %dma_wait3A_45 = arith.constant 0 : i32
    %dma_wait3A_46 = tpu.memref_slice %arg4[%dma_wait3A_32, %dma_wait3A_43, %add3A_31, %dma_wait3A_44, %dma_wait3A_45] : memref<50x8x128x8x128xf32, #tpu.memory_space<hbm>> -> memref<1x8x1x8x128xf32, #tpu.memory_space<hbm>>
    %dma_wait3A_47 = tpu.memref_squeeze %dma_wait3A_46 : memref<1x8x1x8x128xf32, #tpu.memory_space<hbm>> -> memref<8x8x128xf32, #tpu.memory_space<hbm>>
    %dma_wait3A_48 = arith.constant 0 : i32
    %dma_wait3A_49 = arith.constant 0 : i32
    %dma_wait3A_50 = arith.constant 0 : i32
    %dma_wait3A_51 = tpu.memref_slice %arg8[%dma_wait3A, %dma_wait3A_48, %dma_wait3A_49, %dma_wait3A_50] : memref<2x8x8x129xf32, #tpu.memory_space<vmem>> -> memref<1x8x8x128xf32, #tpu.memory_space<vmem>>
    %dma_wait3A_52 = tpu.memref_squeeze %dma_wait3A_51 : memref<1x8x8x128xf32, #tpu.memory_space<vmem>> -> memref<8x8x128xf32, #tpu.memory_space<vmem>>
    tpu.wait_dma2 semaphore(%arg12 : memref<!tpu.dma_semaphore, #tpu.memory_space<semaphore_mem>>) src(%dma_wait3A_52 : memref<8x8x128xf32, #tpu.memory_space<vmem>>) dst(%dma_wait3A_47 : memref<8x8x128xf32, #tpu.memory_space<hbm>>)
    %add3A_53 = arith.constant 2 : i32
    %add3A_54 = arith.addi %mul3A_2, %add3A_53 : i32
    %add3A_55 = arith.constant 0 : i32
    %add3A_56 = arith.addi %add3A_54, %add3A_55 : i32
    %dma_wait3A_57 = arith.constant 0 : i32
    %dma_wait3A_58 = arith.constant 49 : i32
    %dma_wait3A_59 = arith.constant 0 : i32
    %dma_wait3A_60 = arith.constant 0 : i32
    %dma_wait3A_61 = arith.constant 0 : i32
    %dma_wait3A_62 = tpu.memref_slice %arg9[%dma_wait3A_57, %dma_wait3A_59, %dma_wait3A_60, %dma_wait3A_61] : memref<2x8x8x129xf32, #tpu.memory_space<vmem>> -> memref<1x8x8x128xf32, #tpu.memory_space<vmem>>
    %dma_wait3A_63 = tpu.memref_squeeze %dma_wait3A_62 : memref<1x8x8x128xf32, #tpu.memory_space<vmem>> -> memref<8x8x128xf32, #tpu.memory_space<vmem>>
    %dma_wait3A_64 = arith.constant 0 : i32
    %dma_wait3A_65 = arith.constant 0 : i32
    %dma_wait3A_66 = arith.constant 0 : i32
    %dma_wait3A_67 = tpu.memref_slice %arg4[%dma_wait3A_58, %dma_wait3A_64, %add3A_56, %dma_wait3A_65, %dma_wait3A_66] : memref<50x8x128x8x128xf32, #tpu.memory_space<hbm>> -> memref<1x8x1x8x128xf32, #tpu.memory_space<hbm>>
    %dma_wait3A_68 = tpu.memref_squeeze %dma_wait3A_67 : memref<1x8x1x8x128xf32, #tpu.memory_space<hbm>> -> memref<8x8x128xf32, #tpu.memory_space<hbm>>
    %dma_wait3A_69 = arith.constant 0 : i32
    %dma_wait3A_70 = arith.constant 0 : i32
    %dma_wait3A_71 = arith.constant 0 : i32
    %dma_wait3A_72 = tpu.memref_slice %arg4[%dma_wait3A_58, %dma_wait3A_69, %add3A_56, %dma_wait3A_70, %dma_wait3A_71] : memref<50x8x128x8x128xf32, #tpu.memory_space<hbm>> -> memref<1x8x1x8x128xf32, #tpu.memory_space<hbm>>
    %dma_wait3A_73 = tpu.memref_squeeze %dma_wait3A_72 : memref<1x8x1x8x128xf32, #tpu.memory_space<hbm>> -> memref<8x8x128xf32, #tpu.memory_space<hbm>>
    %dma_wait3A_74 = arith.constant 0 : i32
    %dma_wait3A_75 = arith.constant 0 : i32
    %dma_wait3A_76 = arith.constant 0 : i32
    %dma_wait3A_77 = tpu.memref_slice %arg9[%dma_wait3A_57, %dma_wait3A_74, %dma_wait3A_75, %dma_wait3A_76] : memref<2x8x8x129xf32, #tpu.memory_space<vmem>> -> memref<1x8x8x128xf32, #tpu.memory_space<vmem>>
    %dma_wait3A_78 = tpu.memref_squeeze %dma_wait3A_77 : memref<1x8x8x128xf32, #tpu.memory_space<vmem>> -> memref<8x8x128xf32, #tpu.memory_space<vmem>>
    tpu.wait_dma2 semaphore(%arg13 : memref<!tpu.dma_semaphore, #tpu.memory_space<semaphore_mem>>) src(%dma_wait3A_78 : memref<8x8x128xf32, #tpu.memory_space<vmem>>) dst(%dma_wait3A_73 : memref<8x8x128xf32, #tpu.memory_space<hbm>>)
    %add3A_79 = arith.constant 0 : i32
    %add3A_80 = arith.addi %mul3A_2, %add3A_79 : i32
    %add3A_81 = arith.constant 1 : i32
    %add3A_82 = arith.addi %add3A_80, %add3A_81 : i32
    %dma_wait3A_83 = arith.constant 1 : i32
    %dma_wait3A_84 = arith.constant 49 : i32
    %dma_wait3A_85 = arith.constant 0 : i32
    %dma_wait3A_86 = arith.constant 0 : i32
    %dma_wait3A_87 = arith.constant 0 : i32
    %dma_wait3A_88 = tpu.memref_slice %arg8[%dma_wait3A_83, %dma_wait3A_85, %dma_wait3A_86, %dma_wait3A_87] : memref<2x8x8x129xf32, #tpu.memory_space<vmem>> -> memref<1x8x8x128xf32, #tpu.memory_space<vmem>>
    %dma_wait3A_89 = tpu.memref_squeeze %dma_wait3A_88 : memref<1x8x8x128xf32, #tpu.memory_space<vmem>> -> memref<8x8x128xf32, #tpu.memory_space<vmem>>
    %dma_wait3A_90 = arith.constant 0 : i32
    %dma_wait3A_91 = arith.constant 0 : i32
    %dma_wait3A_92 = arith.constant 0 : i32
    %dma_wait3A_93 = tpu.memref_slice %arg4[%dma_wait3A_84, %dma_wait3A_90, %add3A_82, %dma_wait3A_91, %dma_wait3A_92] : memref<50x8x128x8x128xf32, #tpu.memory_space<hbm>> -> memref<1x8x1x8x128xf32, #tpu.memory_space<hbm>>
    %dma_wait3A_94 = tpu.memref_squeeze %dma_wait3A_93 : memref<1x8x1x8x128xf32, #tpu.memory_space<hbm>> -> memref<8x8x128xf32, #tpu.memory_space<hbm>>
    %dma_wait3A_95 = arith.constant 0 : i32
    %dma_wait3A_96 = arith.constant 0 : i32
    %dma_wait3A_97 = arith.constant 0 : i32
    %dma_wait3A_98 = tpu.memref_slice %arg4[%dma_wait3A_84, %dma_wait3A_95, %add3A_82, %dma_wait3A_96, %dma_wait3A_97] : memref<50x8x128x8x128xf32, #tpu.memory_space<hbm>> -> memref<1x8x1x8x128xf32, #tpu.memory_space<hbm>>
    %dma_wait3A_99 = tpu.memref_squeeze %dma_wait3A_98 : memref<1x8x1x8x128xf32, #tpu.memory_space<hbm>> -> memref<8x8x128xf32, #tpu.memory_space<hbm>>
    %dma_wait3A_100 = arith.constant 0 : i32
    %dma_wait3A_101 = arith.constant 0 : i32
    %dma_wait3A_102 = arith.constant 0 : i32
    %dma_wait3A_103 = tpu.memref_slice %arg8[%dma_wait3A_83, %dma_wait3A_100, %dma_wait3A_101, %dma_wait3A_102] : memref<2x8x8x129xf32, #tpu.memory_space<vmem>> -> memref<1x8x8x128xf32, #tpu.memory_space<vmem>>
    %dma_wait3A_104 = tpu.memref_squeeze %dma_wait3A_103 : memref<1x8x8x128xf32, #tpu.memory_space<vmem>> -> memref<8x8x128xf32, #tpu.memory_space<vmem>>
    tpu.wait_dma2 semaphore(%arg12 : memref<!tpu.dma_semaphore, #tpu.memory_space<semaphore_mem>>) src(%dma_wait3A_104 : memref<8x8x128xf32, #tpu.memory_space<vmem>>) dst(%dma_wait3A_99 : memref<8x8x128xf32, #tpu.memory_space<hbm>>)
    %add3A_105 = arith.constant 2 : i32
    %add3A_106 = arith.addi %mul3A_2, %add3A_105 : i32
    %add3A_107 = arith.constant 1 : i32
    %add3A_108 = arith.addi %add3A_106, %add3A_107 : i32
    %dma_wait3A_109 = arith.constant 1 : i32
    %dma_wait3A_110 = arith.constant 49 : i32
    %dma_wait3A_111 = arith.constant 0 : i32
    %dma_wait3A_112 = arith.constant 0 : i32
    %dma_wait3A_113 = arith.constant 0 : i32
    %dma_wait3A_114 = tpu.memref_slice %arg9[%dma_wait3A_109, %dma_wait3A_111, %dma_wait3A_112, %dma_wait3A_113] : memref<2x8x8x129xf32, #tpu.memory_space<vmem>> -> memref<1x8x8x128xf32, #tpu.memory_space<vmem>>
    %dma_wait3A_115 = tpu.memref_squeeze %dma_wait3A_114 : memref<1x8x8x128xf32, #tpu.memory_space<vmem>> -> memref<8x8x128xf32, #tpu.memory_space<vmem>>
    %dma_wait3A_116 = arith.constant 0 : i32
    %dma_wait3A_117 = arith.constant 0 : i32
    %dma_wait3A_118 = arith.constant 0 : i32
    %dma_wait3A_119 = tpu.memref_slice %arg4[%dma_wait3A_110, %dma_wait3A_116, %add3A_108, %dma_wait3A_117, %dma_wait3A_118] : memref<50x8x128x8x128xf32, #tpu.memory_space<hbm>> -> memref<1x8x1x8x128xf32, #tpu.memory_space<hbm>>
    %dma_wait3A_120 = tpu.memref_squeeze %dma_wait3A_119 : memref<1x8x1x8x128xf32, #tpu.memory_space<hbm>> -> memref<8x8x128xf32, #tpu.memory_space<hbm>>
    %dma_wait3A_121 = arith.constant 0 : i32
    %dma_wait3A_122 = arith.constant 0 : i32
    %dma_wait3A_123 = arith.constant 0 : i32
    %dma_wait3A_124 = tpu.memref_slice %arg4[%dma_wait3A_110, %dma_wait3A_121, %add3A_108, %dma_wait3A_122, %dma_wait3A_123] : memref<50x8x128x8x128xf32, #tpu.memory_space<hbm>> -> memref<1x8x1x8x128xf32, #tpu.memory_space<hbm>>
    %dma_wait3A_125 = tpu.memref_squeeze %dma_wait3A_124 : memref<1x8x1x8x128xf32, #tpu.memory_space<hbm>> -> memref<8x8x128xf32, #tpu.memory_space<hbm>>
    %dma_wait3A_126 = arith.constant 0 : i32
    %dma_wait3A_127 = arith.constant 0 : i32
    %dma_wait3A_128 = arith.constant 0 : i32
    %dma_wait3A_129 = tpu.memref_slice %arg9[%dma_wait3A_109, %dma_wait3A_126, %dma_wait3A_127, %dma_wait3A_128] : memref<2x8x8x129xf32, #tpu.memory_space<vmem>> -> memref<1x8x8x128xf32, #tpu.memory_space<vmem>>
    %dma_wait3A_130 = tpu.memref_squeeze %dma_wait3A_129 : memref<1x8x8x128xf32, #tpu.memory_space<vmem>> -> memref<8x8x128xf32, #tpu.memory_space<vmem>>
    tpu.wait_dma2 semaphore(%arg13 : memref<!tpu.dma_semaphore, #tpu.memory_space<semaphore_mem>>) src(%dma_wait3A_130 : memref<8x8x128xf32, #tpu.memory_space<vmem>>) dst(%dma_wait3A_125 : memref<8x8x128xf32, #tpu.memory_space<hbm>>)
    return
  }
}

</mosaic_0001>

<sc_bundles>
// kernel: kernel.3.cloned.1.call-start
scs
__scs_entry_jumppad:
0x0: {  	(pc) =	sbr.rel $0x88, $3  }
0x1: {  	(tag) =	ssettag $0x0;
	lr =	simm.s32 $0x1  }
0x2: {  	[smem:$0x3F9F] =	sst lr;
	_ =	strace $0xD0000000  }
0x3: {  	_ = 	snop  }
0x4: {  	_ = 	snop  }
0x5: {  	_ = 	snop  }
0x6: {  	_ = 	snop  }
0x7: {  	_ = 	snop  }
__scs_overlays_trampoline_lowered:
0x8: {  	[smem:$0x3FAE] =	sst s0  }
0x9: {  	[smem:$0x3FAF] =	sst s1  }
0xa: {  	[smem:$0x3FB0] =	sst s2  }
0xb: {  	[smem:$0x3FB1] =	sst s3  }
0xc: {  	[smem:$0x3FB2] =	sst s4  }
0xd: {  	[smem:$0x3FB3] =	sst s5  }
0xe: {  	[smem:$0x3FB4] =	sst s6  }
0xf: {  	[smem:$0x3FB5] =	sst s7  }
0x10: {  	[smem:$0x3FB6] =	sst s8  }
0x11: {  	[smem:$0x3FB7] =	sst s9;
	s0 =	simm.s32 @!p0 $0x0  }
0x12: {  	s1 =	sld [smem:$0x3F9D];
	s0 =	simm.s32 @p0 $0x1  }
0x13: {  	[smem:$0x3FB8] =	sst s0;
	s0 =	simm.s32 @!p1 $0x0  }
0x14: {  	s2 =	sld [smem:$0x3F9C];
	s0 =	simm.s32 @p1 $0x1  }
0x15: {  	[smem:$0x3FB9] =	sst s0;
	s0 =	simm.s32 @!p2 $0x0  }
0x16: {  	s3 =	sld [smem:$0x3FDB];
	s0 =	simm.s32 @p2 $0x1  }
0x17: {  	s4 =	simm.s32 $0x1BF5;
	[smem:$0x3FBB] =	sst s0  }
0x18: {  	s0 =	sld [smem:$0x3F9E];
	_ =	swait.ge [sflag:s4], $0x0  }
0x19: {  	s7 =	sld [smem:$0x3F9F]  }
0x1a: {  	s8 =	sadd.s32 $0xFFFFE003, lr  }
0x1b: {  	s9 =	sadd.s32 $0xFFFFFEF7, lr;
	s5 =	simm.s32 $0xFFFFFFFF;
	p2 =	slt.u32 s8, $0xFFFFF086  }
0x1c: {  	p1 =	slt.u32 s9, $0xF7A;
	s5 =	simm.s32 @!p2 $0x0  }
0x1d: {  	s5 =	simm.s32 @p1 $0x1;
	p0 =	seq.s32 s7, s2  }
0x1e: {  	s7 =	smul.u32 @!p0 $0xF7A, s2;
	p2 =	seq.s32 @!p0 s5, $0x0  }
0x1f: {  	s9 =	smul.u32 $0xF7A, s1;
	s8 =	simm.s32 @!p0 $0x1BF5;
	p2 =	por !p2, p0  }
0x20: {  	[sflag:s8] =	ssyncset.s32 @!p0 $0xFFFFF086;
	s6 =	sadd.s32 @!p0 s3, s7;
	s7 =	simm.s32 @!p0 $0x108  }
0x21: {  	s3 =	sadd.s32 s3, s9;
	s6 =	sadd.s32 @!p0 $0x88, s6;
	s7 =	simm.s32 @p2 $0x1082  }
0x22: {  	[simem:s7], [sflag:s8] =	dma.local @!p0 [hbm:s6], $0xF7A  }
0x23: {  	s9 =	sor.u32 $0xD0000000, s2;
	s6 =	simm.s32 $0x108;
	_ =	swait.ge @!p0 [sflag:s8], $0x0  }
0x24: {  	s3 =	sadd.s32 $0x88, s3;
	s6 =	simm.s32 @!p1 $0x1082;
	[sflag:s4] =	ssyncset.s32 $0xFFFFF086  }
0x25: {  	[simem:s6], [sflag:s4] =	dma.local [hbm:s3], $0xF7A  }
0x26: {  	[smem:$0x3F9F] =	sst s1;
	(tag) =	ssettag s2;
	_ =	strace s9  }
0x27: {  	s1 =	sld [smem:$0x3FAF]  }
0x28: {  	s2 =	sld [smem:$0x3FB0]  }
0x29: {  	s4 =	sld [smem:$0x3FB2]  }
0x2a: {  	p0 =	seq.s32 s5, $0x0;
	s5 =	sld [smem:$0x3FB3]  }
0x2b: {  	s6 =	sld [smem:$0x3FB4]  }
0x2c: {  	s7 =	sld [smem:$0x3FB5]  }
0x2d: {  	s3 =	simm.s32 $0x108;
	s8 =	sld [smem:$0x3FB6]  }
0x2e: {  	s3 =	simm.s32 @!p0 $0x1082;
	s9 =	sld [smem:$0x3FB7]  }
0x2f: {  	lr =	sadd.s32 s0, s3;
	s0 =	sld [smem:$0x3FAE]  }
0x30: {  	s3 =	sld [smem:$0x3FB1]  }
0x31: {  	[smem:$0x3FBA] =	sst s10  }
0x32: {  	s10 =	sld [smem:$0x3FB8];
	_ =	sdelay $0x3  }
0x33: {  	p0 =	seq.s32 s10, $0x1;
	s10 =	sld [smem:$0x3FBA];
	_ =	sdelay $0x3  }
0x34: {  	[smem:$0x3FBA] =	sst s10  }
0x35: {  	s10 =	sld [smem:$0x3FB9];
	_ =	sdelay $0x3  }
0x36: {  	p1 =	seq.s32 s10, $0x1;
	s10 =	sld [smem:$0x3FBA];
	_ =	sdelay $0x3  }
0x37: {  	[smem:$0x3FBA] =	sst s10  }
0x38: {  	s10 =	sld [smem:$0x3FBB]  }
0x39: {  	_ = 	snop;
	(pc) =	sbr.ind lr, $3  }
0x3a: {  	_ = 	snop  }
0x3b: {  	_ = 	snop  }
0x3c: {  	p2 =	seq.s32 s10, $0x1;
	s10 =	sld [smem:$0x3FBA]  }
0x3d: {  	_ =	shalt  }
0x3e: {  	_ =	shalt  }
0x3f: {  	_ =	shalt  }
0x40: {  	_ =	shalt  }
0x41: {  	_ =	shalt  }
0x42: {  	_ =	shalt  }
0x43: {  	_ =	shalt  }
0x44: {  	_ =	shalt  }
0x45: {  	_ =	shalt  }
0x46: {  	_ =	shalt  }
0x47: {  	_ =	shalt  }
0x48: {  	_ =	shalt  }
0x49: {  	_ =	shalt  }
0x4a: {  	_ =	shalt  }
0x4b: {  	_ =	shalt  }
0x4c: {  	_ =	shalt  }
0x4d: {  	_ =	shalt  }
0x4e: {  	_ =	shalt  }
0x4f: {  	_ =	shalt  }
0x50: {  	_ =	shalt  }
0x51: {  	_ =	shalt  }
0x52: {  	_ =	shalt  }
0x53: {  	_ =	shalt  }
0x54: {  	_ =	shalt  }
0x55: {  	_ =	shalt  }
0x56: {  	_ =	shalt  }
0x57: {  	_ =	shalt  }
0x58: {  	_ =	shalt  }
0x59: {  	_ =	shalt  }
0x5a: {  	_ =	shalt  }
0x5b: {  	_ =	shalt  }
0x5c: {  	_ =	shalt  }
0x5d: {  	_ =	shalt  }
0x5e: {  	_ =	shalt  }
0x5f: {  	_ =	shalt  }
0x60: {  	_ =	shalt  }
0x61: {  	_ =	shalt  }
0x62: {  	_ =	shalt  }
0x63: {  	_ =	shalt  }
0x64: {  	_ =	shalt  }
0x65: {  	_ =	shalt  }
0x66: {  	_ =	shalt  }
0x67: {  	_ =	shalt  }
0x68: {  	_ =	shalt  }
0x69: {  	_ =	shalt  }
0x6a: {  	_ =	shalt  }
0x6b: {  	_ =	shalt  }
0x6c: {  	_ =	shalt  }
0x6d: {  	_ =	shalt  }
0x6e: {  	_ =	shalt  }
0x6f: {  	_ =	shalt  }
0x70: {  	_ =	shalt  }
0x71: {  	_ =	shalt  }
0x72: {  	_ =	shalt  }
0x73: {  	_ =	shalt  }
0x74: {  	_ =	shalt  }
0x75: {  	_ =	shalt  }
0x76: {  	_ =	shalt  }
0x77: {  	_ =	shalt  }
0x78: {  	_ =	shalt  }
0x79: {  	_ =	shalt  }
0x7a: {  	_ =	shalt  }
0x7b: {  	_ =	shalt  }
0x7c: {  	_ =	shalt  }
0x7d: {  	_ =	shalt  }
0x7e: {  	_ =	shalt  }
0x7f: {  	_ =	shalt  }
0x80: {  	_ =	shalt  }
0x81: {  	_ =	shalt  }
0x82: {  	_ =	shalt  }
0x83: {  	_ =	shalt  }
0x84: {  	_ =	shalt  }
0x85: {  	_ =	shalt  }
0x86: {  	_ =	shalt  }
0x87: {  	_ =	shalt  }
.Lfunc_end0:
.L_simem_size_0:
called_computation_lowered:
.L_overlay_start_0:
0x88: {  	s2 =	sld [smem:$0x3FD9]  }
0x89: {  	s3 =	sld [smem:$0x3FFE];
	_ =	sdelay $0x1  }
0x8a: {  	s1 =	srdreg.scid  }
0x8b: {  	s0 =	sand.u32 $0x1, s1  }
0x8c: {  	s17 =	sshll.u32 s0, $0xA;
	s2 =	sadd.s32 s3, s2  }
0x8d: {  	s2 =	sadd.s32 s2, s17  }
0x8e: {  	[smem:$0x3FC6] =	sst s2  }
0x8f: {  	_ = 	snop  }
0x90: {  	s2 =	sld [smem:$0x3FD0];
	(tm) =	ssettm $0x1  }
0x91: {  	s18 =	sld [smem:$0x3FFB];
	_ =	sdelay $0x3  }
0x92: {  	_ =	strace s18  }
0x93: {  	s3 =	sld [smem:$0x3FFC];
	_ =	sdelay $0x3  }
0x94: {  	_ =	strace s3  }
0x95: {  	s3 =	sld [smem:$0x3FFD];
	_ =	sdelay $0x3  }
0x96: {  	_ =	strace s3  }
0x97: {  	_ =	strace $0x8FFFFFFF  }
0x98: {  	s19 =	sld [smem:$0x3FDB];
	_ =	sdelay $0x1  }
0x99: {  	s4 =	simm.s32 $_scs_section_size  }
0x9a: {  	s5 =	simm.s32 $_size__tile_overlayer_lowered;
	s6 =	simm.s32 $_tile_overlayer_lowered  }
0x9b: {  	s22 =	simm.s32 $0x1BFF;
	s21 =	sshll.u32 s6, $0x1;
	s3 =	sadd.s32 s4, s19  }
0x9c: {  	s7 =	simm.s32 $0x0;
	s20 =	sshll.u32 s5, $0x1;
	s5 =	sadd.s32 s21, s3  }
0x9d: {  	[timem:s7], [sflag:s22] =	dma.local [hbm:s5], s20  }
0x9e: {  	_ =	swait.ge [sflag:s22], s20  }
0x9f: {  	s4 =	ssub.s32 $0x0, s20;
	[sflag:s22] =	ssyncset.done $0x0  }
0xa0: {  	[sflag:s22] =	ssyncadd.s32 s4;
	_ =	sdelay $0x1  }
0xa1: {  	s23 =	simm.s32 $0x1B8B  }
0xa2: {  	_ =	swait.ge [sflag:s23], $0x1  }
0xa3: {  	[sflag:s23] =	ssyncset.done $0x0  }
0xa4: {  	s25 =	simm.s32 $0x1B8E;
	s24 =	sld [smem:$0x3FFE];
	[sflag:s23] =	ssyncadd.s32 $0xFFFFFFFF  }
0xa5: {  	s26 =	simm.s32 $execute0_lowered;
	[smem:$0x3FD2] =	sst s25  }
0xa6: {  	s5 =	sshll.u32 s26, $0x1;
	_ =	strace $0x80000046;
	[dreg:$0x1] =	wrdreg $0xFFFFFFFF  }
0xa7: {  	s28 =	simm.s32 $_size_execute0_lowered;
	s3 =	sadd.s32 s3, s5;
	[dreg:$0x0] =	wrdreg $0x0  }
0xa8: {  	s5 =	sshll.u32 s28, $0x1;
	[dreg:$0x2] =	wrdreg s3  }
0xa9: {  	[dreg:$0x3] =	wrdreg s5  }
0xaa: {  	[dreg:$0x4] =	wrdreg $0xC0  }
0xab: {  	_ =	task [dreg:s7], $0x5FFFF  }
0xac: {  	[dreg:$0x1] =	wrdreg $0xFFFFFFFF  }
0xad: {  	[dreg:$0x0] =	wrdreg $0x60  }
0xae: {  	[dreg:$0x2] =	wrdreg s24  }
0xaf: {  	[dreg:$0x3] =	wrdreg s2  }
0xb0: {  	[dreg:$0x4] =	wrdreg $0x9  }
0xb1: {  	_ =	task.clear_ibuf [dreg:s7], $0x5FFFF;
	_ =	strace $0x90000046  }
0xb2: {  	s29 =	simm.s32 $0x9;
	_ =	strace $0x80000048  }
0xb3: {  	_ =	swait.ge [sflag:s29], $0x1  }
0xb4: {  	[sflag:s29] =	ssyncadd.s32 $0xFFFFFFFF  }
0xb5: {  	_ =	strace $0x90000048  }
0xb6: {  	_ =	sfence  }
0xb7: {  	s30 =	sld [smem:$0x0];
	_ =	sdelay $0x2  }
0xb8: {  	s31 =	sshll.u32 s1, $0xD;
	s1 =	sshrl.u32 s1, $0x2  }
0xb9: {  	s3 =	sand.u32 $0x4000, s31;
	s1 =	sadd.s32 s1, s30  }
0xba: {  	s0 =	sor.u32 s3, s0;
	s1 =	sshll.u32 s1, $0x11  }
0xbb: {  	s0 =	sor.u32 s1, s0  }
0xbc: {  	s0 =	sadd.s32 $0x8F2B, s0  }
0xbd: {  	[sflag:s0] =	ssyncadd.remote.s32 $0x1  }
0xbe: {  	_ =	sfence.sel $0xFFFF  }
0xbf: {  	[dreg:$0x0] =	wrdreg $0xFFFFFFFF;
	(pc) =	sbr.abs _section_cstart, $3  }
0xc0: {  	[dreg:$0x1] =	wrdreg $0xFFFFFFFF  }
0xc1: {  	_ =	task.clear_ibuf [dreg:s7], $0x2FFFF;
	_ =	strace $0x9FFFFFFF  }
0xc2: {  	(tm) =	ssettm $0x7FFFFFFF  }
0xc3: {  	_ =	shalt  }
tec
execute0_lowered:
.L_overlay_start_1:
0x0: {  	(tag) =	ssettag $0x1  }
0x1: {  	s0 =	srdreg.scid  }
0x2: {  	s1 =	rddreg [dreg:$0x0];
	s3 =	stileid.u32  }
0x3: {  	s2 =	rddreg [dreg:$0x1];
	s13 =	simm.s32 $0x5;
	s14 =	simm.s32 $0x80  }
0x4: {  	s15 =	simm.s32 $0x6400;
	s16 =	simm.s32 $0x8400;
	s17 =	simm.s32 $0x1  }
0x5: {  	s18 =	simm.s32 $0xA400;
	s19 =	simm.s32 $0xC400;
	s20 =	simm.s32 $0xE400  }
0x6: {  	s21 =	simm.s32 $0x2;
	s22 =	simm.s32 $0x12800;
	s23 =	simm.s32 $0x3  }
0x7: {  	s24 =	simm.s32 $0x4;
	s25 =	simm.s32 $0x0;
	s0 =	sand.u32 $0x1, s0  }
0x8: {  	v0 =	vlaneseq.u32;
	s4 =	sshll.u32 s3, $0x3;
	s3 =	simm.s32 $0x0;
	s5 =	sshll.u32 s0, $0x2  }
0x9: {  	v0 =	vmul.u32 $0x88, v0;
	[smem:$0x7FF] =	sst s3;
	s0 =	ssub.s32 $0x2, s0;
	s5 =	sor.u32 s5, s4  }
0xa: {  	_ =	strace $0x80000047;
	s31 =	sshrl.u32 s0, $0x1;
	s4 =	sshll.u32 s5, $0x4  }
0xb: {  	v1 =	vadd.s32 $0x880, v0;
	v2 =	vadd.s32 $0x1100, v0;
	s5 =	sshll.u32 s5, $0xA;
	s0 =	ssub.s32 s0, s31;
	s6 =	sadd.s32 s4, s1  }
0xc: {  	v3 =	vadd.s32 $0x1980, v0;
	v4 =	vadd.s32 $0x2200, v0;
	s4 =	sadd.s32 $0xF42A00, s1;
	s7 =	sor.u32 $0x400, s5;
	s8 =	sor.u32 $0x800, s5  }
0xd: {  	v5 =	vadd.s32 $0x2A80, v0;
	v6 =	vadd.s32 $0x3300, v0;
	v7 =	vadd.s32 $0x3B80, v0;
	s9 =	sor.u32 $0xC00, s5;
	s10 =	smax.u32 s0, $0x1;
	s6 =	sadd.s32 $0x600, s6  }
.LBB2_1:
0xe: {  	s0 =	simm.s32 $0x200;
	s1 =	simm.s32 $0x4000  }
0xf: {  	[tilespmem:s3], [sflag:$0x5] =	stream.strided.gather [hbm4b:s6+s0], $0x6400, s1, s0, $0x38;
	[tilespmem:$0x16C00] =	vst v63  }
0x10: {  	_ =	swait.ge [sflag:s13], $0x6400  }
0x11: {  	[sflag:s13] =	ssyncset.done $0x0  }
0x12: {  	[sflag:s13] =	ssyncadd.s32 $0xFFFF9C00  }
0x13: {  	[tilespmem:s15], [sflag:$0x1] =	stream.indirect.gather [hbm4b:s4+s14], $0x40, s3, s14, $0xb8;
	[tilespmem:$0x16C00] =	vst v63  }
0x14: {  	s26 =	simm.s32 $0x0  }
0x15: {  	[tilespmem:s16], [sflag:$0x1] =	stream.indirect.gather [hbm4b:s4+s14], $0x40, s14, s14, $0xb8;
	[tilespmem:$0x16C00] =	vst v63  }
.LBB2_2:
0x16: {  	_ =	swait.ge [sflag:s17], $0x2000  }
0x17: {  	[sflag:s17] =	ssyncset.done $0x0  }
0x18: {  	[sflag:s17] =	ssyncadd.s32 $0xFFFFE000  }
0x19: {  	s0 =	sshll.u32 s26, $0x9;
	_ =	swait.ge [sflag:s17], $0x2000  }
0x1a: {  	s29 =	sand.u32 $0x3FFFFE00, s0;
	[sflag:s17] =	ssyncset.done $0x0  }
0x1b: {  	p0 =	seq.s32 s26, $0x0;
	s0 =	sor.u32 $0x100, s29;
	[sflag:s17] =	ssyncadd.s32 $0xFFFFE000  }
0x1c: {  	[tilespmem:s18], [sflag:$0x2] =	stream.indirect.gather [hbm4b:s4+s14], $0x40, s0, s14, $0xb8;
	[tilespmem:$0x16C00] =	vst v63  }
0x1d: {  	s1 =	sor.u32 $0x180, s29;
	s0 =	simm.s32 @!p0 $0x3  }
0x1e: {  	[tilespmem:s19], [sflag:$0x2] =	stream.indirect.gather [hbm4b:s4+s14], $0x40, s1, s14, $0xb8;
	[tilespmem:$0x16C00] =	vst v63  }
0x1f: {  	_ =	swait.ge @!p0 [sflag:s0], $0x2000  }
0x20: {  	[sflag:s0] =	ssyncset.done @!p0 $0x0  }
0x21: {  	[sflag:s0] =	ssyncadd.s32 @!p0 $0xFFFFE000  }
0x22: {  	s1 =	simm.s32 $0x1;
	_ =	swait.ge @!p0 [sflag:s0], $0x2000  }
0x23: {  	s11 =	simm.s32 $0x0;
	v8 =	vmov s1;
	[sflag:s0] =	ssyncset.done @!p0 $0x0  }
0x24: {  	s30 =	simm.s32 $0x8400;
	v9 =	vmov s11;
	v14 =	vand.u32 $0x7F, v8;
	[sflag:s0] =	ssyncadd.s32 @!p0 $0xFFFFE000  }
0x25: {  	v18 =	vand.u32 $0x7E, v9;
	v9 =	vadd.s32 v0, v14;
	v8 =	vld [tilespmem:s30+$0xFFFFE040]  }
0x26: {  	v11 =	vadd.s32 v0, v18;
	v10 =	vld [tilespmem:s30+$0xFFFFE000];
	_ =	sdelay $0x3  }
0x27: {  	[tilespmem:v9+s20+$0x0] =	vst.idx.msk $0xffff, v8  }
0x28: {  	[tilespmem:v11+s20+$0x0] =	vst.idx.msk $0xffff, v10;
	v9 =	vadd.s32 v1, v14;
	v8 =	vld [tilespmem:s30+$0xFFFFE050]  }
0x29: {  	v11 =	vadd.s32 v1, v18;
	v10 =	vld [tilespmem:s30+$0xFFFFE010];
	_ =	sdelay $0x3  }
0x2a: {  	[tilespmem:v9+s20+$0x0] =	vst.idx.msk $0xffff, v8  }
0x2b: {  	[tilespmem:v11+s20+$0x0] =	vst.idx.msk $0xffff, v10;
	v11 =	vadd.s32 v2, v14;
	v10 =	vld [tilespmem:s30+$0xFFFFE060]  }
0x2c: {  	s11 =	simm.s32 $0x3;
	v13 =	vadd.s32 v2, v18;
	v12 =	vld [tilespmem:s30+$0xFFFFE020]  }
0x2d: {  	s12 =	simm.s32 $0x2;
	v8 =	vmov s11  }
0x2e: {  	s28 =	simm.s32 $0x8480;
	v9 =	vmov s12;
	v8 =	vand.u32 $0x7F, v8  }
0x2f: {  	v15 =	vld [tilespmem:s28+$0xFFFFE040];
	v9 =	vand.u32 $0x7E, v9;
	v16 =	vadd.s32 v0, v8  }
0x30: {  	v17 =	vld [tilespmem:s28+$0xFFFFE000];
	v19 =	vadd.s32 v0, v9;
	[tilespmem:v11+s20+$0x0] =	vst.idx.msk $0xffff, v10  }
0x31: {  	[tilespmem:v13+s20+$0x0] =	vst.idx.msk $0xffff, v12;
	v11 =	vadd.s32 v3, v14;
	v10 =	vld [tilespmem:s30+$0xFFFFE070]  }
0x32: {  	v13 =	vadd.s32 v3, v18;
	v12 =	vld [tilespmem:s30+$0xFFFFE030];
	_ =	sdelay $0x1  }
0x33: {  	[tilespmem:v16+s20+$0x0] =	vst.idx.msk $0xffff, v15  }
0x34: {  	[tilespmem:v19+s20+$0x0] =	vst.idx.msk $0xffff, v17;
	v16 =	vadd.s32 v1, v8;
	v15 =	vld [tilespmem:s28+$0xFFFFE050]  }
0x35: {  	v19 =	vadd.s32 v1, v9;
	v17 =	vld [tilespmem:s28+$0xFFFFE010];
	[tilespmem:v11+s20+$0x0] =	vst.idx.msk $0xffff, v10  }
0x36: {  	[tilespmem:v13+s20+$0x0] =	vst.idx.msk $0xffff, v12;
	v11 =	vadd.s32 v4, v14;
	v10 =	vld [tilespmem:s30+$0x40]  }
0x37: {  	v13 =	vadd.s32 v4, v18;
	v12 =	vld [tilespmem:s30+$0x0];
	_ =	sdelay $0x1  }
0x38: {  	[tilespmem:v16+s20+$0x0] =	vst.idx.msk $0xffff, v15  }
0x39: {  	[tilespmem:v19+s20+$0x0] =	vst.idx.msk $0xffff, v17;
	v16 =	vadd.s32 v2, v8;
	v15 =	vld [tilespmem:s28+$0xFFFFE060]  }
0x3a: {  	s11 =	simm.s32 $0x5;
	v19 =	vadd.s32 v2, v9;
	v17 =	vld [tilespmem:s28+$0xFFFFE020];
	[tilespmem:v11+s20+$0x0] =	vst.idx.msk $0xffff, v10  }
0x3b: {  	s12 =	simm.s32 $0x4;
	v10 =	vmov s11;
	[tilespmem:v13+s20+$0x0] =	vst.idx.msk $0xffff, v12;
	v13 =	vadd.s32 v5, v14;
	v12 =	vld [tilespmem:s30+$0x50]  }
0x3c: {  	s31 =	simm.s32 $0x8500;
	v21 =	vadd.s32 v5, v18;
	v11 =	vmov s12;
	v10 =	vand.u32 $0x7F, v10;
	v20 =	vld [tilespmem:s30+$0x10]  }
0x3d: {  	v22 =	vld [tilespmem:s31+$0xFFFFE040];
	v11 =	vand.u32 $0x7E, v11;
	v23 =	vadd.s32 v0, v10  }
0x3e: {  	v24 =	vld [tilespmem:s31+$0xFFFFE000];
	[tilespmem:v16+s20+$0x0] =	vst.idx.msk $0xffff, v15;
	v25 =	vadd.s32 v0, v11  }
0x3f: {  	[tilespmem:v19+s20+$0x0] =	vst.idx.msk $0xffff, v17;
	v16 =	vadd.s32 v3, v8;
	v15 =	vld [tilespmem:s28+$0xFFFFE070]  }
0x40: {  	v19 =	vadd.s32 v3, v9;
	v17 =	vld [tilespmem:s28+$0xFFFFE030];
	[tilespmem:v13+s20+$0x0] =	vst.idx.msk $0xffff, v12  }
0x41: {  	[tilespmem:v21+s20+$0x0] =	vst.idx.msk $0xffff, v20;
	v13 =	vadd.s32 v6, v14;
	v12 =	vld [tilespmem:s30+$0x60]  }
0x42: {  	v21 =	vadd.s32 v6, v18;
	[tilespmem:v23+s20+$0x0] =	vst.idx.msk $0xffff, v22;
	v20 =	vld [tilespmem:s30+$0x20]  }
0x43: {  	[tilespmem:v25+s20+$0x0] =	vst.idx.msk $0xffff, v24;
	v23 =	vadd.s32 v1, v10;
	v22 =	vld [tilespmem:s31+$0xFFFFE050]  }
0x44: {  	v63 =	vadd.s32 v1, v11;
	[tilespmem:v16+s20+$0x0] =	vst.idx.msk $0xffff, v15;
	v24 =	vld [tilespmem:s31+$0xFFFFE010]  }
0x45: {  	v27 =	vadd.s32 v4, v8;
	[tilespmem:v19+s20+$0x0] =	vst.idx.msk $0xffff, v17;
	v26 =	vld [tilespmem:s28+$0x40]  }
0x46: {  	v17 =	vadd.s32 v4, v9;
	v16 =	vld [tilespmem:s28+$0x0];
	[tilespmem:v13+s20+$0x0] =	vst.idx.msk $0xffff, v12  }
0x47: {  	v15 =	vadd.s32 v7, v14;
	[tilespmem:v21+s20+$0x0] =	vst.idx.msk $0xffff, v20;
	v13 =	vld [tilespmem:s30+$0x70]  }
0x48: {  	v14 =	vadd.s32 v7, v18;
	[tilespmem:v23+s20+$0x0] =	vst.idx.msk $0xffff, v22;
	v12 =	vld [tilespmem:s30+$0x30]  }
0x49: {  	s1 =	simm.s32 $0x6;
	v19 =	vadd.s32 v2, v10;
	[tilespmem:v63+s20+$0x0] =	vst.idx.msk $0xffff, v24;
	v18 =	vld [tilespmem:s31+$0xFFFFE060]  }
0x4a: {  	s0 =	simm.s32 $0x8;
	s11 =	simm.s32 $0x7;
	v21 =	vadd.s32 v2, v11;
	[tilespmem:v27+s20+$0x0] =	vst.idx.msk $0xffff, v26;
	s30 =	simm.s32 $0x8500;
	v20 =	vld [tilespmem:s31+$0xFFFFE020]  }
.LBB2_3:
0x4b: {  	p0 =	slt.u32 s0, $0x7E;
	v22 =	vmov s11;
	[tilespmem:v17+s20+$0x0] =	vst.idx.msk $0xffff, v16;
	v16 =	vld [tilespmem:s28+$0x50];
	v17 =	vadd.s32 v5, v8  }
0x4c: {  	v23 =	vmov s1;
	s31 =	sadd.s32 $0x80, s31;
	v25 =	vadd.s32 v5, v9;
	s1 =	smov.u32 s0;
	v22 =	vand.u32 $0x7F, v22;
	v24 =	vld [tilespmem:s28+$0x10];
	[tilespmem:v15+s20+$0x0] =	vst.idx.msk $0xffff, v13  }
0x4d: {  	v23 =	vand.u32 $0x7E, v23;
	v13 =	vld [tilespmem:s31+$0xFFFFE040];
	v15 =	vadd.s32 v0, v22;
	[tilespmem:v14+s20+$0x0] =	vst.idx.msk $0xffff, v12  }
0x4e: {  	v14 =	vadd.s32 v0, v23;
	v12 =	vld [tilespmem:s31+$0xFFFFE000];
	[tilespmem:v19+s20+$0x0] =	vst.idx.msk $0xffff, v18  }
0x4f: {  	v19 =	vadd.s32 v3, v10;
	[tilespmem:v21+s20+$0x0] =	vst.idx.msk $0xffff, v20;
	v18 =	vld [tilespmem:s30+$0xFFFFE070]  }
0x50: {  	v21 =	vadd.s32 v3, v11;
	v20 =	vld [tilespmem:s30+$0xFFFFE030];
	[tilespmem:v17+s20+$0x0] =	vst.idx.msk $0xffff, v16  }
0x51: {  	[tilespmem:v25+s20+$0x0] =	vst.idx.msk $0xffff, v24;
	v24 =	vld [tilespmem:s28+$0x60];
	v25 =	vadd.s32 v6, v8  }
0x52: {  	[tilespmem:v15+s20+$0x0] =	vst.idx.msk $0xffff, v13;
	v13 =	vld [tilespmem:s28+$0x20];
	v15 =	vadd.s32 v6, v9  }
0x53: {  	[tilespmem:v14+s20+$0x0] =	vst.idx.msk $0xffff, v12;
	v12 =	vld [tilespmem:s31+$0xFFFFE050];
	v14 =	vadd.s32 v1, v22  }
0x54: {  	v27 =	vadd.s32 v1, v23;
	v26 =	vld [tilespmem:s31+$0xFFFFE010];
	[tilespmem:v19+s20+$0x0] =	vst.idx.msk $0xffff, v18  }
0x55: {  	v29 =	vadd.s32 v4, v10;
	[tilespmem:v21+s20+$0x0] =	vst.idx.msk $0xffff, v20;
	v28 =	vld [tilespmem:s30+$0x40]  }
.Ltmp0:
0x56: {  	v17 =	vadd.s32 v4, v11;
	v16 =	vld [tilespmem:s30+$0x0];
	[tilespmem:v25+s20+$0x0] =	vst.idx.msk $0xffff, v24;
	(pc) =	sbr.rel @p0 .LBB2_3-.Ltmp0, $4  }
0x57: {  	[tilespmem:v15+s20+$0x0] =	vst.idx.msk $0xffff, v13;
	v13 =	vld [tilespmem:s28+$0x70];
	v15 =	vadd.s32 v7, v8;
	v8 =	vmov v10;
	v10 =	vmov v22  }
0x58: {  	[tilespmem:v14+s20+$0x0] =	vst.idx.msk $0xffff, v12;
	v12 =	vld [tilespmem:s28+$0x30];
	v14 =	vadd.s32 v7, v9;
	v9 =	vmov v11;
	v11 =	vmov v23;
	s28 =	smov.u32 s30;
	s30 =	smov.u32 s31  }
0x59: {  	v19 =	vadd.s32 v2, v10;
	[tilespmem:v27+s20+$0x0] =	vst.idx.msk $0xffff, v26;
	v18 =	vld [tilespmem:s31+$0xFFFFE060]  }
0x5a: {  	s0 =	sadd.s32 $0x2, s0;
	s11 =	sadd.s32 $0x1, s1;
	v21 =	vadd.s32 v2, v11;
	v20 =	vld [tilespmem:s31+$0xFFFFE020];
	[tilespmem:v29+s20+$0x0] =	vst.idx.msk $0xffff, v28  }
0x5b: {  	v22 =	vmov s11  }
0x5c: {  	v23 =	vmov s1;
	s31 =	sadd.s32 $0x80, s31;
	v22 =	vand.u32 $0x7F, v22  }
0x5d: {  	v23 =	vand.u32 $0x7E, v23;
	v24 =	vld [tilespmem:s31+$0xFFFFE040];
	v25 =	vadd.s32 v0, v22  }
0x5e: {  	v26 =	vld [tilespmem:s31+$0xFFFFE000];
	v27 =	vadd.s32 v0, v23;
	_ =	sdelay $0x3  }
0x5f: {  	[tilespmem:v25+s20+$0x0] =	vst.idx.msk $0xffff, v24  }
0x60: {  	v56 =	vadd.s32 v1, v22;
	[tilespmem:v27+s20+$0x0] =	vst.idx.msk $0xffff, v26;
	v24 =	vld [tilespmem:s31+$0xFFFFE050]  }
0x61: {  	v57 =	vadd.s32 v1, v23;
	v26 =	vld [tilespmem:s31+$0xFFFFE010];
	_ =	sdelay $0x3  }
0x62: {  	[tilespmem:v56+s20+$0x0] =	vst.idx.msk $0xffff, v24  }
0x63: {  	v58 =	vadd.s32 v2, v22;
	[tilespmem:v57+s20+$0x0] =	vst.idx.msk $0xffff, v26;
	v24 =	vld [tilespmem:s31+$0xFFFFE060]  }
0x64: {  	v59 =	vadd.s32 v2, v23;
	v26 =	vld [tilespmem:s31+$0xFFFFE020];
	_ =	sdelay $0x1  }
0x65: {  	[tilespmem:v19+s20+$0x0] =	vst.idx.msk $0xffff, v18  }
0x66: {  	v60 =	vadd.s32 v3, v10;
	[tilespmem:v21+s20+$0x0] =	vst.idx.msk $0xffff, v20;
	v18 =	vld [tilespmem:s30+$0xFFFFE070]  }
0x67: {  	v61 =	vadd.s32 v3, v11;
	v20 =	vld [tilespmem:s30+$0xFFFFE030];
	[tilespmem:v58+s20+$0x0] =	vst.idx.msk $0xffff, v24  }
0x68: {  	v62 =	vadd.s32 v3, v22;
	[tilespmem:v59+s20+$0x0] =	vst.idx.msk $0xffff, v26;
	v24 =	vld [tilespmem:s31+$0xFFFFE070]  }
0x69: {  	v63 =	vadd.s32 v3, v23;
	v26 =	vld [tilespmem:s31+$0xFFFFE030]  }
0x6a: {  	[tilespmem:v17+s20+$0x0] =	vst.idx.msk $0xffff, v16  }
0x6b: {  	[tilespmem:v60+s20+$0x0] =	vst.idx.msk $0xffff, v18  }
0x6c: {  	v29 =	vadd.s32 v4, v10;
	[tilespmem:v61+s20+$0x0] =	vst.idx.msk $0xffff, v20;
	v28 =	vld [tilespmem:s30+$0x40]  }
0x6d: {  	v31 =	vadd.s32 v4, v11;
	v30 =	vld [tilespmem:s30+$0x0];
	[tilespmem:v62+s20+$0x0] =	vst.idx.msk $0xffff, v24  }
0x6e: {  	v33 =	vadd.s32 v4, v22;
	[tilespmem:v63+s20+$0x0] =	vst.idx.msk $0xffff, v26;
	v32 =	vld [tilespmem:s31+$0x40]  }
0x6f: {  	[tilespmem:v15+s20+$0x0] =	vst.idx.msk $0xffff, v13;
	v35 =	vadd.s32 v4, v23;
	v34 =	vld [tilespmem:s31+$0x0]  }
0x70: {  	v36 =	vld [tilespmem:s28+$0x50];
	v37 =	vadd.s32 v5, v8;
	[tilespmem:v14+s20+$0x0] =	vst.idx.msk $0xffff, v12  }
0x71: {  	v39 =	vadd.s32 v5, v9;
	v38 =	vld [tilespmem:s28+$0x10];
	[tilespmem:v29+s20+$0x0] =	vst.idx.msk $0xffff, v28  }
0x72: {  	v40 =	vadd.s32 v5, v10;
	[tilespmem:v31+s20+$0x0] =	vst.idx.msk $0xffff, v30;
	v16 =	vld [tilespmem:s30+$0x50]  }
0x73: {  	v41 =	vadd.s32 v5, v11;
	v18 =	vld [tilespmem:s30+$0x10];
	[tilespmem:v33+s20+$0x0] =	vst.idx.msk $0xffff, v32  }
0x74: {  	v43 =	vadd.s32 v5, v22;
	[tilespmem:v35+s20+$0x0] =	vst.idx.msk $0xffff, v34;
	v42 =	vld [tilespmem:s31+$0x50]  }
0x75: {  	v45 =	vadd.s32 v5, v23;
	[tilespmem:v37+s20+$0x0] =	vst.idx.msk $0xffff, v36;
	v44 =	vld [tilespmem:s31+$0x10]  }
0x76: {  	v47 =	vadd.s32 v6, v8;
	[tilespmem:v39+s20+$0x0] =	vst.idx.msk $0xffff, v38;
	v46 =	vld [tilespmem:s28+$0x60]  }
0x77: {  	v49 =	vadd.s32 v6, v9;
	v48 =	vld [tilespmem:s28+$0x20];
	[tilespmem:v40+s20+$0x0] =	vst.idx.msk $0xffff, v16  }
0x78: {  	v50 =	vadd.s32 v6, v10;
	[tilespmem:v41+s20+$0x0] =	vst.idx.msk $0xffff, v18;
	v16 =	vld [tilespmem:s30+$0x60]  }
0x79: {  	v51 =	vadd.s32 v6, v11;
	v18 =	vld [tilespmem:s30+$0x20];
	[tilespmem:v43+s20+$0x0] =	vst.idx.msk $0xffff, v42  }
0x7a: {  	v52 =	vadd.s32 v6, v22;
	[tilespmem:v45+s20+$0x0] =	vst.idx.msk $0xffff, v44;
	v13 =	vld [tilespmem:s31+$0x60]  }
0x7b: {  	v54 =	vadd.s32 v6, v23;
	[tilespmem:v47+s20+$0x0] =	vst.idx.msk $0xffff, v46;
	v53 =	vld [tilespmem:s31+$0x20]  }
0x7c: {  	v8 =	vadd.s32 v7, v8;
	[tilespmem:v49+s20+$0x0] =	vst.idx.msk $0xffff, v48;
	v55 =	vld [tilespmem:s28+$0x70]  }
0x7d: {  	v56 =	vld [tilespmem:s28+$0x30];
	v57 =	vadd.s32 v7, v9;
	[tilespmem:v50+s20+$0x0] =	vst.idx.msk $0xffff, v16  }
0x7e: {  	v58 =	vadd.s32 v7, v10;
	[tilespmem:v51+s20+$0x0] =	vst.idx.msk $0xffff, v18;
	v16 =	vld [tilespmem:s30+$0x70]  }
0x7f: {  	v60 =	vadd.s32 v7, v11;
	v59 =	vld [tilespmem:s30+$0x30];
	[tilespmem:v52+s20+$0x0] =	vst.idx.msk $0xffff, v13  }
0x80: {  	v62 =	vadd.s32 v7, v22;
	[tilespmem:v54+s20+$0x0] =	vst.idx.msk $0xffff, v53;
	v61 =	vld [tilespmem:s31+$0x70]  }
0x81: {  	[tilespmem:v8+s20+$0x0] =	vst.idx.msk $0xffff, v55;
	v63 =	vadd.s32 v7, v23;
	v8 =	vld [tilespmem:s31+$0x30]  }
0x82: {  	[tilespmem:v57+s20+$0x0] =	vst.idx.msk $0xffff, v56  }
0x83: {  	s28 =	sshll.u32 s26, $0x14;
	[tilespmem:v58+s20+$0x0] =	vst.idx.msk $0xffff, v16  }
0x84: {  	s0 =	sor.u32 s5, s28;
	[tilespmem:v60+s20+$0x0] =	vst.idx.msk $0xffff, v59  }
0x85: {  	s0 =	sshrl.u32 s0, $0x3;
	[tilespmem:v62+s20+$0x0] =	vst.idx.msk $0xffff, v61  }
0x86: {  	s12 =	simm.s32 $0xE400;
	s1 =	sadd.s32 s2, s0;
	[tilespmem:v63+s20+$0x0] =	vst.idx.msk $0xffff, v8  }
0x87: {  	[hbm4b:s1+s3] =	stream.linear.scatter [tilespmem:s12], [sflag:$0x3], $0x80, $0x38;
	[tilespmem:$0x16C00] =	vst v63  }
0x88: {  	s11 =	simm.s32 $0xE488;
	s12 =	sadd.s32 $0x10, s1  }
0x89: {  	[hbm4b:s12+s3] =	stream.linear.scatter [tilespmem:s11], [sflag:$0x3], $0x80, $0x38;
	[tilespmem:$0x16C00] =	vst v63  }
0x8a: {  	s11 =	simm.s32 $0xE510;
	s12 =	sadd.s32 $0x20, s1  }
0x8b: {  	[hbm4b:s12+s3] =	stream.linear.scatter [tilespmem:s11], [sflag:$0x3], $0x80, $0x38;
	[tilespmem:$0x16C00] =	vst v63  }
0x8c: {  	s11 =	simm.s32 $0xE598;
	s12 =	sadd.s32 $0x30, s1  }
0x8d: {  	[hbm4b:s12+s3] =	stream.linear.scatter [tilespmem:s11], [sflag:$0x3], $0x80, $0x38;
	[tilespmem:$0x16C00] =	vst v63  }
0x8e: {  	s11 =	simm.s32 $0xE620;
	s12 =	sadd.s32 $0x40, s1  }
0x8f: {  	[hbm4b:s12+s3] =	stream.linear.scatter [tilespmem:s11], [sflag:$0x3], $0x80, $0x38;
	[tilespmem:$0x16C00] =	vst v63  }
0x90: {  	s0 =	simm.s32 $0x440;
	s11 =	simm.s32 $0xE6A8;
	s12 =	sadd.s32 $0x50, s1  }
0x91: {  	[hbm4b:s12+s3] =	stream.linear.scatter [tilespmem:s11], [sflag:$0x3], $0x80, $0x38;
	[tilespmem:$0x16C00] =	vst v63  }
0x92: {  	s30 =	simm.s32 $0x2200;
	s11 =	simm.s32 $0xE730;
	s12 =	sadd.s32 $0x60, s1  }
0x93: {  	[hbm4b:s12+s3] =	stream.linear.scatter [tilespmem:s11], [sflag:$0x3], $0x80, $0x38;
	[tilespmem:$0x16C00] =	vst v63  }
0x94: {  	s31 =	sadd.s32 $0x70, s1;
	s1 =	sadd.s32 $0x4000, s1;
	s11 =	simm.s32 $0xE7B8  }
.LBB2_5:
0x95: {  	[hbm4b:s31+s3] =	stream.linear.scatter [tilespmem:s11], [sflag:$0x3], $0x80, $0x38;
	[tilespmem:$0x16C00] =	vst v63  }
0x96: {  	s11 =	smov.u32 s0;
	s0 =	smov.u32 s30  }
0x97: {  	s12 =	sadd.s32 $0x1100, s30;
	s0 =	sshra.s32 s0, $0x2;
	s31 =	sadd.s32 $0xE400, s11  }
0x98: {  	[hbm4b:s1+s3] =	stream.linear.scatter [tilespmem:s31], [sflag:$0x3], $0x80, $0x38;
	[tilespmem:$0x16C00] =	vst v63  }
0x99: {  	p0 =	sne.s32 s30, $0x7700;
	s30 =	sadd.s32 $0xE488, s11;
	s31 =	sadd.s32 $0x10, s1  }
0x9a: {  	[hbm4b:s31+s3] =	stream.linear.scatter [tilespmem:s30], [sflag:$0x3], $0x80, $0x38;
	[tilespmem:$0x16C00] =	vst v63  }
0x9b: {  	s30 =	sadd.s32 $0xE510, s11;
	s31 =	sadd.s32 $0x20, s1  }
0x9c: {  	[hbm4b:s31+s3] =	stream.linear.scatter [tilespmem:s30], [sflag:$0x3], $0x80, $0x38;
	[tilespmem:$0x16C00] =	vst v63  }
0x9d: {  	s30 =	sadd.s32 $0xE598, s11;
	s31 =	sadd.s32 $0x30, s1  }
0x9e: {  	[hbm4b:s31+s3] =	stream.linear.scatter [tilespmem:s30], [sflag:$0x3], $0x80, $0x38;
	[tilespmem:$0x16C00] =	vst v63  }
0x9f: {  	s30 =	sadd.s32 $0xE620, s11;
	s31 =	sadd.s32 $0x40, s1  }
0xa0: {  	[hbm4b:s31+s3] =	stream.linear.scatter [tilespmem:s30], [sflag:$0x3], $0x80, $0x38;
	[tilespmem:$0x16C00] =	vst v63  }
.Ltmp1:
0xa1: {  	s30 =	sadd.s32 $0xE6A8, s11;
	s31 =	sadd.s32 $0x50, s1;
	(pc) =	sbr.rel @p0 .LBB2_5-.Ltmp1, $4  }
0xa2: {  	[hbm4b:s31+s3] =	stream.linear.scatter [tilespmem:s30], [sflag:$0x3], $0x80, $0x38;
	[tilespmem:$0x16C00] =	vst v63  }
0xa3: {  	s30 =	sadd.s32 $0xE730, s11;
	s31 =	sadd.s32 $0x60, s1;
	s11 =	sadd.s32 $0xE7B8, s11  }
0xa4: {  	[hbm4b:s31+s3] =	stream.linear.scatter [tilespmem:s30], [sflag:$0x3], $0x80, $0x38;
	[tilespmem:$0x16C00] =	vst v63  }
0xa5: {  	s31 =	sadd.s32 $0x70, s1;
	s1 =	sadd.s32 $0x4000, s1;
	s30 =	smov.u32 s12  }
0xa6: {  	[hbm4b:s31+s3] =	stream.linear.scatter [tilespmem:s11], [sflag:$0x3], $0x80, $0x38;
	[tilespmem:$0x16C00] =	vst v63  }
0xa7: {  	s12 =	sadd.s32 $0xE400, s0  }
0xa8: {  	[hbm4b:s1+s3] =	stream.linear.scatter [tilespmem:s12], [sflag:$0x3], $0x80, $0x38;
	[tilespmem:$0x16C00] =	vst v63  }
0xa9: {  	s11 =	sadd.s32 $0xE488, s0;
	s12 =	sadd.s32 $0x10, s1  }
0xaa: {  	[hbm4b:s12+s3] =	stream.linear.scatter [tilespmem:s11], [sflag:$0x3], $0x80, $0x38;
	[tilespmem:$0x16C00] =	vst v63  }
0xab: {  	s11 =	sadd.s32 $0xE510, s0;
	s12 =	sadd.s32 $0x20, s1  }
0xac: {  	[hbm4b:s12+s3] =	stream.linear.scatter [tilespmem:s11], [sflag:$0x3], $0x80, $0x38;
	[tilespmem:$0x16C00] =	vst v63  }
0xad: {  	s11 =	sadd.s32 $0xE598, s0;
	s12 =	sadd.s32 $0x30, s1  }
0xae: {  	[hbm4b:s12+s3] =	stream.linear.scatter [tilespmem:s11], [sflag:$0x3], $0x80, $0x38;
	[tilespmem:$0x16C00] =	vst v63  }
0xaf: {  	s11 =	sadd.s32 $0xE620, s0;
	s12 =	sadd.s32 $0x40, s1  }
0xb0: {  	[hbm4b:s12+s3] =	stream.linear.scatter [tilespmem:s11], [sflag:$0x3], $0x80, $0x38;
	[tilespmem:$0x16C00] =	vst v63  }
0xb1: {  	s11 =	sadd.s32 $0xE6A8, s0;
	s12 =	sadd.s32 $0x50, s1  }
0xb2: {  	[hbm4b:s12+s3] =	stream.linear.scatter [tilespmem:s11], [sflag:$0x3], $0x80, $0x38;
	[tilespmem:$0x16C00] =	vst v63  }
0xb3: {  	s11 =	sadd.s32 $0xE730, s0;
	s12 =	sadd.s32 $0x60, s1  }
0xb4: {  	[hbm4b:s12+s3] =	stream.linear.scatter [tilespmem:s11], [sflag:$0x3], $0x80, $0x38;
	[tilespmem:$0x16C00] =	vst v63  }
0xb5: {  	s11 =	sadd.s32 $0xE7B8, s0;
	s12 =	sadd.s32 $0x70, s1  }
0xb6: {  	[hbm4b:s12+s3] =	stream.linear.scatter [tilespmem:s11], [sflag:$0x3], $0x80, $0x38;
	[tilespmem:$0x16C00] =	vst v63  }
0xb7: {  	s11 =	sor.u32 s7, s28  }
0xb8: {  	s0 =	sshrl.u32 s11, $0x3  }
0xb9: {  	s12 =	simm.s32 $0x10600;
	s1 =	sadd.s32 s2, s0  }
0xba: {  	[hbm4b:s1+s3] =	stream.linear.scatter [tilespmem:s12], [sflag:$0x3], $0x80, $0x38;
	[tilespmem:$0x16C00] =	vst v63  }
0xbb: {  	s11 =	simm.s32 $0x10688;
	s12 =	sadd.s32 $0x10, s1  }
0xbc: {  	[hbm4b:s12+s3] =	stream.linear.scatter [tilespmem:s11], [sflag:$0x3], $0x80, $0x38;
	[tilespmem:$0x16C00] =	vst v63  }
0xbd: {  	s11 =	simm.s32 $0x10710;
	s12 =	sadd.s32 $0x20, s1  }
0xbe: {  	[hbm4b:s12+s3] =	stream.linear.scatter [tilespmem:s11], [sflag:$0x3], $0x80, $0x38;
	[tilespmem:$0x16C00] =	vst v63  }
0xbf: {  	s11 =	simm.s32 $0x10798;
	s12 =	sadd.s32 $0x30, s1  }
0xc0: {  	[hbm4b:s12+s3] =	stream.linear.scatter [tilespmem:s11], [sflag:$0x3], $0x80, $0x38;
	[tilespmem:$0x16C00] =	vst v63  }
0xc1: {  	s11 =	simm.s32 $0x10820;
	s12 =	sadd.s32 $0x40, s1  }
0xc2: {  	[hbm4b:s12+s3] =	stream.linear.scatter [tilespmem:s11], [sflag:$0x3], $0x80, $0x38;
	[tilespmem:$0x16C00] =	vst v63  }
0xc3: {  	s30 =	simm.s32 $0x2200;
	s11 =	simm.s32 $0x108A8;
	s12 =	sadd.s32 $0x50, s1  }
0xc4: {  	[hbm4b:s12+s3] =	stream.linear.scatter [tilespmem:s11], [sflag:$0x3], $0x80, $0x38;
	[tilespmem:$0x16C00] =	vst v63  }
0xc5: {  	s0 =	simm.s32 $0x440;
	s11 =	simm.s32 $0x10930;
	s12 =	sadd.s32 $0x60, s1  }
0xc6: {  	[hbm4b:s12+s3] =	stream.linear.scatter [tilespmem:s11], [sflag:$0x3], $0x80, $0x38;
	[tilespmem:$0x16C00] =	vst v63  }
0xc7: {  	s31 =	sadd.s32 $0x70, s1;
	s1 =	sadd.s32 $0x4000, s1;
	s11 =	simm.s32 $0x109B8  }
.LBB2_7:
0xc8: {  	[hbm4b:s31+s3] =	stream.linear.scatter [tilespmem:s11], [sflag:$0x3], $0x80, $0x38;
	[tilespmem:$0x16C00] =	vst v63  }
0xc9: {  	s11 =	smov.u32 s0;
	s0 =	smov.u32 s30  }
0xca: {  	s12 =	sadd.s32 $0x1100, s30;
	s0 =	sshra.s32 s0, $0x2;
	s31 =	sadd.s32 $0x10600, s11  }
0xcb: {  	[hbm4b:s1+s3] =	stream.linear.scatter [tilespmem:s31], [sflag:$0x3], $0x80, $0x38;
	[tilespmem:$0x16C00] =	vst v63  }
0xcc: {  	p0 =	sne.s32 s30, $0x7700;
	s30 =	sadd.s32 $0x10688, s11;
	s31 =	sadd.s32 $0x10, s1  }
0xcd: {  	[hbm4b:s31+s3] =	stream.linear.scatter [tilespmem:s30], [sflag:$0x3], $0x80, $0x38;
	[tilespmem:$0x16C00] =	vst v63  }
0xce: {  	s30 =	sadd.s32 $0x10710, s11;
	s31 =	sadd.s32 $0x20, s1  }
0xcf: {  	[hbm4b:s31+s3] =	stream.linear.scatter [tilespmem:s30], [sflag:$0x3], $0x80, $0x38;
	[tilespmem:$0x16C00] =	vst v63  }
0xd0: {  	s30 =	sadd.s32 $0x10798, s11;
	s31 =	sadd.s32 $0x30, s1  }
0xd1: {  	[hbm4b:s31+s3] =	stream.linear.scatter [tilespmem:s30], [sflag:$0x3], $0x80, $0x38;
	[tilespmem:$0x16C00] =	vst v63  }
0xd2: {  	s30 =	sadd.s32 $0x10820, s11;
	s31 =	sadd.s32 $0x40, s1  }
0xd3: {  	[hbm4b:s31+s3] =	stream.linear.scatter [tilespmem:s30], [sflag:$0x3], $0x80, $0x38;
	[tilespmem:$0x16C00] =	vst v63  }
.Ltmp2:
0xd4: {  	s30 =	sadd.s32 $0x108A8, s11;
	s31 =	sadd.s32 $0x50, s1;
	(pc) =	sbr.rel @p0 .LBB2_7-.Ltmp2, $4  }
0xd5: {  	[hbm4b:s31+s3] =	stream.linear.scatter [tilespmem:s30], [sflag:$0x3], $0x80, $0x38;
	[tilespmem:$0x16C00] =	vst v63  }
0xd6: {  	s30 =	sadd.s32 $0x10930, s11;
	s31 =	sadd.s32 $0x60, s1;
	s11 =	sadd.s32 $0x109B8, s11  }
0xd7: {  	[hbm4b:s31+s3] =	stream.linear.scatter [tilespmem:s30], [sflag:$0x3], $0x80, $0x38;
	[tilespmem:$0x16C00] =	vst v63  }
0xd8: {  	s31 =	sadd.s32 $0x70, s1;
	s1 =	sadd.s32 $0x4000, s1;
	s30 =	smov.u32 s12  }
0xd9: {  	[hbm4b:s31+s3] =	stream.linear.scatter [tilespmem:s11], [sflag:$0x3], $0x80, $0x38;
	[tilespmem:$0x16C00] =	vst v63  }
0xda: {  	s12 =	sadd.s32 $0x10600, s0  }
0xdb: {  	[hbm4b:s1+s3] =	stream.linear.scatter [tilespmem:s12], [sflag:$0x3], $0x80, $0x38;
	[tilespmem:$0x16C00] =	vst v63  }
0xdc: {  	s11 =	sadd.s32 $0x10688, s0;
	s12 =	sadd.s32 $0x10, s1  }
0xdd: {  	[hbm4b:s12+s3] =	stream.linear.scatter [tilespmem:s11], [sflag:$0x3], $0x80, $0x38;
	[tilespmem:$0x16C00] =	vst v63  }
0xde: {  	s11 =	sadd.s32 $0x10710, s0;
	s12 =	sadd.s32 $0x20, s1  }
0xdf: {  	[hbm4b:s12+s3] =	stream.linear.scatter [tilespmem:s11], [sflag:$0x3], $0x80, $0x38;
	[tilespmem:$0x16C00] =	vst v63  }
0xe0: {  	s11 =	sadd.s32 $0x10798, s0;
	s12 =	sadd.s32 $0x30, s1  }
0xe1: {  	[hbm4b:s12+s3] =	stream.linear.scatter [tilespmem:s11], [sflag:$0x3], $0x80, $0x38;
	[tilespmem:$0x16C00] =	vst v63  }
0xe2: {  	s11 =	sadd.s32 $0x10820, s0;
	s12 =	sadd.s32 $0x40, s1  }
0xe3: {  	[hbm4b:s12+s3] =	stream.linear.scatter [tilespmem:s11], [sflag:$0x3], $0x80, $0x38;
	[tilespmem:$0x16C00] =	vst v63  }
0xe4: {  	s11 =	sadd.s32 $0x108A8, s0;
	s12 =	sadd.s32 $0x50, s1  }
0xe5: {  	[hbm4b:s12+s3] =	stream.linear.scatter [tilespmem:s11], [sflag:$0x3], $0x80, $0x38;
	[tilespmem:$0x16C00] =	vst v63  }
0xe6: {  	s11 =	sadd.s32 $0x10930, s0;
	s12 =	sadd.s32 $0x60, s1  }
0xe7: {  	[hbm4b:s12+s3] =	stream.linear.scatter [tilespmem:s11], [sflag:$0x3], $0x80, $0x38;
	[tilespmem:$0x16C00] =	vst v63  }
0xe8: {  	s11 =	sadd.s32 $0x109B8, s0;
	s12 =	sadd.s32 $0x70, s1  }
0xe9: {  	[hbm4b:s12+s3] =	stream.linear.scatter [tilespmem:s11], [sflag:$0x3], $0x80, $0x38;
	[tilespmem:$0x16C00] =	vst v63  }
0xea: {  	_ =	swait.ge [sflag:s21], $0x2000  }
0xeb: {  	[sflag:s21] =	ssyncset.done $0x0  }
0xec: {  	[sflag:s21] =	ssyncadd.s32 $0xFFFFE000  }
0xed: {  	p0 =	seq.s32 s26, $0x31;
	_ =	swait.ge [sflag:s21], $0x2000  }
0xee: {  	s0 =	sadd.s32 @!p0 $0x200, s29;
	[sflag:s21] =	ssyncset.done $0x0  }
0xef: {  	s1 =	simm.s32 @!p0 $0x80;
	s11 =	simm.s32 @!p0 $0x6400;
	[sflag:s21] =	ssyncadd.s32 $0xFFFFE000  }
0xf0: {  	[tilespmem:s11], [sflag:$0x1] =	stream.indirect.gather @!p0 [hbm4b:s4+s1], $0x40, s0, s1, $0xb8;
	[tilespmem:$0x16C00] =	vst v63  }
0xf1: {  	p1 =	seq.s32 @!p0 s26, $0x0;
	s0 =	sadd.s32 @!p0 $0x280, s29;
	s11 =	simm.s32 @!p0 $0x8400  }
0xf2: {  	[tilespmem:s11], [sflag:$0x1] =	stream.indirect.gather @!p0 [hbm4b:s4+s1], $0x40, s0, s1, $0xb8;
	[tilespmem:$0x16C00] =	vst v63  }
0xf3: {  	p0 =	por p0, !p1  }
0xf4: {  	_ =	swait.ge @p0 [sflag:s24], $0x2000  }
0xf5: {  	[sflag:s24] =	ssyncset.done @p0 $0x0  }
0xf6: {  	[sflag:s24] =	ssyncadd.s32 @p0 $0xFFFFE000  }
0xf7: {  	s11 =	simm.s32 $0x1;
	_ =	swait.ge @p0 [sflag:s24], $0x2000  }
0xf8: {  	s12 =	simm.s32 $0x0;
	v8 =	vmov s11;
	[sflag:s24] =	ssyncset.done @p0 $0x0  }
0xf9: {  	s30 =	simm.s32 $0xC400;
	v9 =	vmov s12;
	v14 =	vand.u32 $0x7F, v8;
	[sflag:s24] =	ssyncadd.s32 @p0 $0xFFFFE000  }
0xfa: {  	v18 =	vand.u32 $0x7E, v9;
	v9 =	vadd.s32 v0, v14;
	v8 =	vld [tilespmem:s30+$0xFFFFE040]  }
0xfb: {  	v11 =	vadd.s32 v0, v18;
	v10 =	vld [tilespmem:s30+$0xFFFFE000];
	_ =	sdelay $0x3  }
0xfc: {  	[tilespmem:v9+s22+$0x0] =	vst.idx.msk $0xffff, v8  }
0xfd: {  	[tilespmem:v11+s22+$0x0] =	vst.idx.msk $0xffff, v10;
	v9 =	vadd.s32 v1, v14;
	v8 =	vld [tilespmem:s30+$0xFFFFE050]  }
0xfe: {  	v11 =	vadd.s32 v1, v18;
	v10 =	vld [tilespmem:s30+$0xFFFFE010];
	_ =	sdelay $0x3  }
0xff: {  	[tilespmem:v9+s22+$0x0] =	vst.idx.msk $0xffff, v8  }
0x100: {  	[tilespmem:v11+s22+$0x0] =	vst.idx.msk $0xffff, v10;
	v11 =	vadd.s32 v2, v14;
	v10 =	vld [tilespmem:s30+$0xFFFFE060]  }
0x101: {  	v13 =	vadd.s32 v2, v18;
	s11 =	simm.s32 $0x3;
	v12 =	vld [tilespmem:s30+$0xFFFFE020]  }
0x102: {  	s12 =	simm.s32 $0x2;
	v8 =	vmov s11  }
0x103: {  	s29 =	simm.s32 $0xC480;
	v9 =	vmov s12;
	v8 =	vand.u32 $0x7F, v8  }
0x104: {  	v15 =	vld [tilespmem:s29+$0xFFFFE040];
	v9 =	vand.u32 $0x7E, v9;
	v16 =	vadd.s32 v0, v8  }
0x105: {  	v17 =	vld [tilespmem:s29+$0xFFFFE000];
	v19 =	vadd.s32 v0, v9;
	[tilespmem:v11+s22+$0x0] =	vst.idx.msk $0xffff, v10  }
0x106: {  	[tilespmem:v13+s22+$0x0] =	vst.idx.msk $0xffff, v12;
	v11 =	vadd.s32 v3, v14;
	v10 =	vld [tilespmem:s30+$0xFFFFE070]  }
0x107: {  	v13 =	vadd.s32 v3, v18;
	v12 =	vld [tilespmem:s30+$0xFFFFE030];
	_ =	sdelay $0x1  }
0x108: {  	[tilespmem:v16+s22+$0x0] =	vst.idx.msk $0xffff, v15  }
0x109: {  	[tilespmem:v19+s22+$0x0] =	vst.idx.msk $0xffff, v17;
	v16 =	vadd.s32 v1, v8;
	v15 =	vld [tilespmem:s29+$0xFFFFE050]  }
0x10a: {  	v19 =	vadd.s32 v1, v9;
	v17 =	vld [tilespmem:s29+$0xFFFFE010];
	[tilespmem:v11+s22+$0x0] =	vst.idx.msk $0xffff, v10  }
0x10b: {  	[tilespmem:v13+s22+$0x0] =	vst.idx.msk $0xffff, v12;
	v11 =	vadd.s32 v4, v14;
	v10 =	vld [tilespmem:s30+$0x40]  }
0x10c: {  	v13 =	vadd.s32 v4, v18;
	v12 =	vld [tilespmem:s30+$0x0];
	_ =	sdelay $0x1  }
0x10d: {  	[tilespmem:v16+s22+$0x0] =	vst.idx.msk $0xffff, v15  }
0x10e: {  	[tilespmem:v19+s22+$0x0] =	vst.idx.msk $0xffff, v17;
	v16 =	vadd.s32 v2, v8;
	v15 =	vld [tilespmem:s29+$0xFFFFE060]  }
0x10f: {  	s11 =	simm.s32 $0x5;
	v19 =	vadd.s32 v2, v9;
	v17 =	vld [tilespmem:s29+$0xFFFFE020];
	[tilespmem:v11+s22+$0x0] =	vst.idx.msk $0xffff, v10  }
0x110: {  	s12 =	simm.s32 $0x4;
	v10 =	vmov s11;
	[tilespmem:v13+s22+$0x0] =	vst.idx.msk $0xffff, v12;
	v13 =	vadd.s32 v5, v14;
	v12 =	vld [tilespmem:s30+$0x50]  }
0x111: {  	s31 =	simm.s32 $0xC500;
	v21 =	vadd.s32 v5, v18;
	v11 =	vmov s12;
	v10 =	vand.u32 $0x7F, v10;
	v20 =	vld [tilespmem:s30+$0x10]  }
0x112: {  	v22 =	vld [tilespmem:s31+$0xFFFFE040];
	v11 =	vand.u32 $0x7E, v11;
	v23 =	vadd.s32 v0, v10  }
0x113: {  	v24 =	vld [tilespmem:s31+$0xFFFFE000];
	[tilespmem:v16+s22+$0x0] =	vst.idx.msk $0xffff, v15;
	v25 =	vadd.s32 v0, v11  }
0x114: {  	[tilespmem:v19+s22+$0x0] =	vst.idx.msk $0xffff, v17;
	v16 =	vadd.s32 v3, v8;
	v15 =	vld [tilespmem:s29+$0xFFFFE070]  }
0x115: {  	v19 =	vadd.s32 v3, v9;
	v17 =	vld [tilespmem:s29+$0xFFFFE030];
	[tilespmem:v13+s22+$0x0] =	vst.idx.msk $0xffff, v12  }
0x116: {  	[tilespmem:v21+s22+$0x0] =	vst.idx.msk $0xffff, v20;
	v13 =	vadd.s32 v6, v14;
	v12 =	vld [tilespmem:s30+$0x60]  }
0x117: {  	v21 =	vadd.s32 v6, v18;
	[tilespmem:v23+s22+$0x0] =	vst.idx.msk $0xffff, v22;
	v20 =	vld [tilespmem:s30+$0x20]  }
0x118: {  	[tilespmem:v25+s22+$0x0] =	vst.idx.msk $0xffff, v24;
	v23 =	vadd.s32 v1, v10;
	v22 =	vld [tilespmem:s31+$0xFFFFE050]  }
0x119: {  	v63 =	vadd.s32 v1, v11;
	[tilespmem:v16+s22+$0x0] =	vst.idx.msk $0xffff, v15;
	v24 =	vld [tilespmem:s31+$0xFFFFE010]  }
0x11a: {  	v27 =	vadd.s32 v4, v8;
	[tilespmem:v19+s22+$0x0] =	vst.idx.msk $0xffff, v17;
	v26 =	vld [tilespmem:s29+$0x40]  }
0x11b: {  	v17 =	vadd.s32 v4, v9;
	v16 =	vld [tilespmem:s29+$0x0];
	[tilespmem:v13+s22+$0x0] =	vst.idx.msk $0xffff, v12  }
0x11c: {  	v15 =	vadd.s32 v7, v14;
	[tilespmem:v21+s22+$0x0] =	vst.idx.msk $0xffff, v20;
	v13 =	vld [tilespmem:s30+$0x70]  }
0x11d: {  	v14 =	vadd.s32 v7, v18;
	[tilespmem:v23+s22+$0x0] =	vst.idx.msk $0xffff, v22;
	v12 =	vld [tilespmem:s30+$0x30]  }
0x11e: {  	s1 =	simm.s32 $0x6;
	v19 =	vadd.s32 v2, v10;
	[tilespmem:v63+s22+$0x0] =	vst.idx.msk $0xffff, v24;
	v18 =	vld [tilespmem:s31+$0xFFFFE060]  }
0x11f: {  	s0 =	simm.s32 $0x8;
	s11 =	simm.s32 $0x7;
	v21 =	vadd.s32 v2, v11;
	[tilespmem:v27+s22+$0x0] =	vst.idx.msk $0xffff, v26;
	s30 =	simm.s32 $0xC500;
	v20 =	vld [tilespmem:s31+$0xFFFFE020]  }
.LBB2_9:
0x120: {  	p0 =	slt.u32 s0, $0x7E;
	v22 =	vmov s11;
	[tilespmem:v17+s22+$0x0] =	vst.idx.msk $0xffff, v16;
	v16 =	vld [tilespmem:s29+$0x50];
	v17 =	vadd.s32 v5, v8  }
0x121: {  	v23 =	vmov s1;
	s31 =	sadd.s32 $0x80, s31;
	v25 =	vadd.s32 v5, v9;
	s1 =	smov.u32 s0;
	v22 =	vand.u32 $0x7F, v22;
	v24 =	vld [tilespmem:s29+$0x10];
	[tilespmem:v15+s22+$0x0] =	vst.idx.msk $0xffff, v13  }
0x122: {  	v23 =	vand.u32 $0x7E, v23;
	v13 =	vld [tilespmem:s31+$0xFFFFE040];
	v15 =	vadd.s32 v0, v22;
	[tilespmem:v14+s22+$0x0] =	vst.idx.msk $0xffff, v12  }
0x123: {  	v14 =	vadd.s32 v0, v23;
	v12 =	vld [tilespmem:s31+$0xFFFFE000];
	[tilespmem:v19+s22+$0x0] =	vst.idx.msk $0xffff, v18  }
0x124: {  	v19 =	vadd.s32 v3, v10;
	[tilespmem:v21+s22+$0x0] =	vst.idx.msk $0xffff, v20;
	v18 =	vld [tilespmem:s30+$0xFFFFE070]  }
0x125: {  	v21 =	vadd.s32 v3, v11;
	v20 =	vld [tilespmem:s30+$0xFFFFE030];
	[tilespmem:v17+s22+$0x0] =	vst.idx.msk $0xffff, v16  }
0x126: {  	[tilespmem:v25+s22+$0x0] =	vst.idx.msk $0xffff, v24;
	v24 =	vld [tilespmem:s29+$0x60];
	v25 =	vadd.s32 v6, v8  }
0x127: {  	[tilespmem:v15+s22+$0x0] =	vst.idx.msk $0xffff, v13;
	v13 =	vld [tilespmem:s29+$0x20];
	v15 =	vadd.s32 v6, v9  }
0x128: {  	[tilespmem:v14+s22+$0x0] =	vst.idx.msk $0xffff, v12;
	v12 =	vld [tilespmem:s31+$0xFFFFE050];
	v14 =	vadd.s32 v1, v22  }
0x129: {  	v27 =	vadd.s32 v1, v23;
	v26 =	vld [tilespmem:s31+$0xFFFFE010];
	[tilespmem:v19+s22+$0x0] =	vst.idx.msk $0xffff, v18  }
0x12a: {  	v29 =	vadd.s32 v4, v10;
	[tilespmem:v21+s22+$0x0] =	vst.idx.msk $0xffff, v20;
	v28 =	vld [tilespmem:s30+$0x40]  }
.Ltmp3:
0x12b: {  	v17 =	vadd.s32 v4, v11;
	v16 =	vld [tilespmem:s30+$0x0];
	[tilespmem:v25+s22+$0x0] =	vst.idx.msk $0xffff, v24;
	(pc) =	sbr.rel @p0 .LBB2_9-.Ltmp3, $4  }
0x12c: {  	[tilespmem:v15+s22+$0x0] =	vst.idx.msk $0xffff, v13;
	v13 =	vld [tilespmem:s29+$0x70];
	v15 =	vadd.s32 v7, v8;
	v8 =	vmov v10;
	v10 =	vmov v22  }
0x12d: {  	[tilespmem:v14+s22+$0x0] =	vst.idx.msk $0xffff, v12;
	v12 =	vld [tilespmem:s29+$0x30];
	v14 =	vadd.s32 v7, v9;
	v9 =	vmov v11;
	v11 =	vmov v23;
	s29 =	smov.u32 s30;
	s30 =	smov.u32 s31  }
0x12e: {  	v19 =	vadd.s32 v2, v10;
	[tilespmem:v27+s22+$0x0] =	vst.idx.msk $0xffff, v26;
	v18 =	vld [tilespmem:s31+$0xFFFFE060]  }
0x12f: {  	s0 =	sadd.s32 $0x2, s0;
	s11 =	sadd.s32 $0x1, s1;
	v21 =	vadd.s32 v2, v11;
	v20 =	vld [tilespmem:s31+$0xFFFFE020];
	[tilespmem:v29+s22+$0x0] =	vst.idx.msk $0xffff, v28  }
0x130: {  	v22 =	vmov s11  }
0x131: {  	v23 =	vmov s1;
	s31 =	sadd.s32 $0x80, s31;
	v22 =	vand.u32 $0x7F, v22  }
0x132: {  	v23 =	vand.u32 $0x7E, v23;
	v24 =	vld [tilespmem:s31+$0xFFFFE040];
	v25 =	vadd.s32 v0, v22  }
0x133: {  	v26 =	vld [tilespmem:s31+$0xFFFFE000];
	v27 =	vadd.s32 v0, v23;
	_ =	sdelay $0x3  }
0x134: {  	[tilespmem:v25+s22+$0x0] =	vst.idx.msk $0xffff, v24  }
0x135: {  	v56 =	vadd.s32 v1, v22;
	[tilespmem:v27+s22+$0x0] =	vst.idx.msk $0xffff, v26;
	v24 =	vld [tilespmem:s31+$0xFFFFE050]  }
0x136: {  	v57 =	vadd.s32 v1, v23;
	v26 =	vld [tilespmem:s31+$0xFFFFE010];
	_ =	sdelay $0x3  }
0x137: {  	[tilespmem:v56+s22+$0x0] =	vst.idx.msk $0xffff, v24  }
0x138: {  	v58 =	vadd.s32 v2, v22;
	[tilespmem:v57+s22+$0x0] =	vst.idx.msk $0xffff, v26;
	v24 =	vld [tilespmem:s31+$0xFFFFE060]  }
0x139: {  	v59 =	vadd.s32 v2, v23;
	v26 =	vld [tilespmem:s31+$0xFFFFE020];
	_ =	sdelay $0x1  }
0x13a: {  	[tilespmem:v19+s22+$0x0] =	vst.idx.msk $0xffff, v18  }
0x13b: {  	v60 =	vadd.s32 v3, v10;
	[tilespmem:v21+s22+$0x0] =	vst.idx.msk $0xffff, v20;
	v18 =	vld [tilespmem:s30+$0xFFFFE070]  }
0x13c: {  	v61 =	vadd.s32 v3, v11;
	v20 =	vld [tilespmem:s30+$0xFFFFE030];
	[tilespmem:v58+s22+$0x0] =	vst.idx.msk $0xffff, v24  }
0x13d: {  	v62 =	vadd.s32 v3, v22;
	[tilespmem:v59+s22+$0x0] =	vst.idx.msk $0xffff, v26;
	v24 =	vld [tilespmem:s31+$0xFFFFE070]  }
0x13e: {  	v63 =	vadd.s32 v3, v23;
	v26 =	vld [tilespmem:s31+$0xFFFFE030]  }
0x13f: {  	[tilespmem:v17+s22+$0x0] =	vst.idx.msk $0xffff, v16  }
0x140: {  	[tilespmem:v60+s22+$0x0] =	vst.idx.msk $0xffff, v18  }
0x141: {  	v29 =	vadd.s32 v4, v10;
	[tilespmem:v61+s22+$0x0] =	vst.idx.msk $0xffff, v20;
	v28 =	vld [tilespmem:s30+$0x40]  }
0x142: {  	v31 =	vadd.s32 v4, v11;
	v30 =	vld [tilespmem:s30+$0x0];
	[tilespmem:v62+s22+$0x0] =	vst.idx.msk $0xffff, v24  }
0x143: {  	v33 =	vadd.s32 v4, v22;
	[tilespmem:v63+s22+$0x0] =	vst.idx.msk $0xffff, v26;
	v32 =	vld [tilespmem:s31+$0x40]  }
0x144: {  	[tilespmem:v15+s22+$0x0] =	vst.idx.msk $0xffff, v13;
	v35 =	vadd.s32 v4, v23;
	v34 =	vld [tilespmem:s31+$0x0]  }
0x145: {  	v36 =	vld [tilespmem:s29+$0x50];
	v37 =	vadd.s32 v5, v8;
	[tilespmem:v14+s22+$0x0] =	vst.idx.msk $0xffff, v12  }
0x146: {  	v39 =	vadd.s32 v5, v9;
	v38 =	vld [tilespmem:s29+$0x10];
	[tilespmem:v29+s22+$0x0] =	vst.idx.msk $0xffff, v28  }
0x147: {  	v40 =	vadd.s32 v5, v10;
	[tilespmem:v31+s22+$0x0] =	vst.idx.msk $0xffff, v30;
	v16 =	vld [tilespmem:s30+$0x50]  }
0x148: {  	v41 =	vadd.s32 v5, v11;
	v18 =	vld [tilespmem:s30+$0x10];
	[tilespmem:v33+s22+$0x0] =	vst.idx.msk $0xffff, v32  }
0x149: {  	v43 =	vadd.s32 v5, v22;
	[tilespmem:v35+s22+$0x0] =	vst.idx.msk $0xffff, v34;
	v42 =	vld [tilespmem:s31+$0x50]  }
0x14a: {  	v45 =	vadd.s32 v5, v23;
	[tilespmem:v37+s22+$0x0] =	vst.idx.msk $0xffff, v36;
	v44 =	vld [tilespmem:s31+$0x10]  }
0x14b: {  	v47 =	vadd.s32 v6, v8;
	[tilespmem:v39+s22+$0x0] =	vst.idx.msk $0xffff, v38;
	v46 =	vld [tilespmem:s29+$0x60]  }
0x14c: {  	v49 =	vadd.s32 v6, v9;
	v48 =	vld [tilespmem:s29+$0x20];
	[tilespmem:v40+s22+$0x0] =	vst.idx.msk $0xffff, v16  }
0x14d: {  	v50 =	vadd.s32 v6, v10;
	[tilespmem:v41+s22+$0x0] =	vst.idx.msk $0xffff, v18;
	v16 =	vld [tilespmem:s30+$0x60]  }
0x14e: {  	v51 =	vadd.s32 v6, v11;
	v18 =	vld [tilespmem:s30+$0x20];
	[tilespmem:v43+s22+$0x0] =	vst.idx.msk $0xffff, v42  }
0x14f: {  	v52 =	vadd.s32 v6, v22;
	[tilespmem:v45+s22+$0x0] =	vst.idx.msk $0xffff, v44;
	v13 =	vld [tilespmem:s31+$0x60]  }
0x150: {  	v54 =	vadd.s32 v6, v23;
	[tilespmem:v47+s22+$0x0] =	vst.idx.msk $0xffff, v46;
	v53 =	vld [tilespmem:s31+$0x20]  }
0x151: {  	v8 =	vadd.s32 v7, v8;
	[tilespmem:v49+s22+$0x0] =	vst.idx.msk $0xffff, v48;
	v55 =	vld [tilespmem:s29+$0x70]  }
0x152: {  	v56 =	vld [tilespmem:s29+$0x30];
	v57 =	vadd.s32 v7, v9;
	[tilespmem:v50+s22+$0x0] =	vst.idx.msk $0xffff, v16  }
0x153: {  	v58 =	vadd.s32 v7, v10;
	[tilespmem:v51+s22+$0x0] =	vst.idx.msk $0xffff, v18;
	v16 =	vld [tilespmem:s30+$0x70]  }
0x154: {  	v60 =	vadd.s32 v7, v11;
	v59 =	vld [tilespmem:s30+$0x30];
	[tilespmem:v52+s22+$0x0] =	vst.idx.msk $0xffff, v13  }
0x155: {  	v62 =	vadd.s32 v7, v22;
	[tilespmem:v54+s22+$0x0] =	vst.idx.msk $0xffff, v53;
	v61 =	vld [tilespmem:s31+$0x70]  }
0x156: {  	[tilespmem:v8+s22+$0x0] =	vst.idx.msk $0xffff, v55;
	v63 =	vadd.s32 v7, v23;
	v8 =	vld [tilespmem:s31+$0x30]  }
0x157: {  	[tilespmem:v57+s22+$0x0] =	vst.idx.msk $0xffff, v56  }
0x158: {  	[tilespmem:v58+s22+$0x0] =	vst.idx.msk $0xffff, v16  }
0x159: {  	s0 =	sor.u32 s8, s28;
	[tilespmem:v60+s22+$0x0] =	vst.idx.msk $0xffff, v59  }
0x15a: {  	s0 =	sshrl.u32 s0, $0x3;
	[tilespmem:v62+s22+$0x0] =	vst.idx.msk $0xffff, v61  }
0x15b: {  	s11 =	simm.s32 $0x12800;
	s1 =	sadd.s32 s2, s0;
	[tilespmem:v63+s22+$0x0] =	vst.idx.msk $0xffff, v8  }
0x15c: {  	[hbm4b:s1+s3] =	stream.linear.scatter [tilespmem:s11], [sflag:$0x4], $0x80, $0x38;
	[tilespmem:$0x16C00] =	vst v63  }
0x15d: {  	s12 =	simm.s32 $0x12888;
	s31 =	sadd.s32 $0x10, s1  }
0x15e: {  	[hbm4b:s31+s3] =	stream.linear.scatter [tilespmem:s12], [sflag:$0x4], $0x80, $0x38;
	[tilespmem:$0x16C00] =	vst v63  }
0x15f: {  	s0 =	simm.s32 $0x440;
	s12 =	simm.s32 $0x12910;
	s31 =	sadd.s32 $0x20, s1  }
0x160: {  	[hbm4b:s31+s3] =	stream.linear.scatter [tilespmem:s12], [sflag:$0x4], $0x80, $0x38;
	[tilespmem:$0x16C00] =	vst v63  }
0x161: {  	s29 =	simm.s32 $0x2200;
	s12 =	simm.s32 $0x12998;
	s31 =	sadd.s32 $0x30, s1  }
0x162: {  	[hbm4b:s31+s3] =	stream.linear.scatter [tilespmem:s12], [sflag:$0x4], $0x80, $0x38;
	[tilespmem:$0x16C00] =	vst v63  }
0x163: {  	s30 =	sadd.s32 $0x70, s1;
	s12 =	simm.s32 $0x12A20;
	s31 =	sadd.s32 $0x40, s1  }
0x164: {  	[hbm4b:s31+s3] =	stream.linear.scatter [tilespmem:s12], [sflag:$0x4], $0x80, $0x38;
	[tilespmem:$0x16C00] =	vst v63  }
0x165: {  	s11 =	simm.s32 $0x12BB8;
	s12 =	simm.s32 $0x12AA8;
	s31 =	sadd.s32 $0x50, s1  }
0x166: {  	[hbm4b:s31+s3] =	stream.linear.scatter [tilespmem:s12], [sflag:$0x4], $0x80, $0x38;
	[tilespmem:$0x16C00] =	vst v63  }
0x167: {  	s12 =	simm.s32 $0x12B30;
	s31 =	sadd.s32 $0x60, s1;
	s1 =	sadd.s32 $0x4000, s1  }
0x168: {  	[hbm4b:s31+s3] =	stream.linear.scatter [tilespmem:s12], [sflag:$0x4], $0x80, $0x38;
	[tilespmem:$0x16C00] =	vst v63  }
.LBB2_11:
0x169: {  	[hbm4b:s30+s3] =	stream.linear.scatter [tilespmem:s11], [sflag:$0x4], $0x80, $0x38;
	[tilespmem:$0x16C00] =	vst v63  }
0x16a: {  	s11 =	smov.u32 s0;
	s0 =	smov.u32 s29  }
0x16b: {  	s12 =	sadd.s32 $0x1100, s29;
	s0 =	sshra.s32 s0, $0x2;
	s30 =	sadd.s32 $0x12800, s11  }
0x16c: {  	[hbm4b:s1+s3] =	stream.linear.scatter [tilespmem:s30], [sflag:$0x4], $0x80, $0x38;
	[tilespmem:$0x16C00] =	vst v63  }
0x16d: {  	p0 =	sne.s32 s29, $0x7700;
	s29 =	sadd.s32 $0x12888, s11;
	s30 =	sadd.s32 $0x10, s1  }
0x16e: {  	[hbm4b:s30+s3] =	stream.linear.scatter [tilespmem:s29], [sflag:$0x4], $0x80, $0x38;
	[tilespmem:$0x16C00] =	vst v63  }
0x16f: {  	s29 =	sadd.s32 $0x12910, s11;
	s30 =	sadd.s32 $0x20, s1  }
0x170: {  	[hbm4b:s30+s3] =	stream.linear.scatter [tilespmem:s29], [sflag:$0x4], $0x80, $0x38;
	[tilespmem:$0x16C00] =	vst v63  }
0x171: {  	s29 =	sadd.s32 $0x12998, s11;
	s30 =	sadd.s32 $0x30, s1  }
0x172: {  	[hbm4b:s30+s3] =	stream.linear.scatter [tilespmem:s29], [sflag:$0x4], $0x80, $0x38;
	[tilespmem:$0x16C00] =	vst v63  }
0x173: {  	s29 =	sadd.s32 $0x12A20, s11;
	s30 =	sadd.s32 $0x40, s1  }
0x174: {  	[hbm4b:s30+s3] =	stream.linear.scatter [tilespmem:s29], [sflag:$0x4], $0x80, $0x38;
	[tilespmem:$0x16C00] =	vst v63  }
.Ltmp4:
0x175: {  	s29 =	sadd.s32 $0x12AA8, s11;
	s30 =	sadd.s32 $0x50, s1;
	(pc) =	sbr.rel @p0 .LBB2_11-.Ltmp4, $4  }
0x176: {  	[hbm4b:s30+s3] =	stream.linear.scatter [tilespmem:s29], [sflag:$0x4], $0x80, $0x38;
	[tilespmem:$0x16C00] =	vst v63  }
0x177: {  	s29 =	sadd.s32 $0x12B30, s11;
	s30 =	sadd.s32 $0x60, s1;
	s11 =	sadd.s32 $0x12BB8, s11  }
0x178: {  	[hbm4b:s30+s3] =	stream.linear.scatter [tilespmem:s29], [sflag:$0x4], $0x80, $0x38;
	[tilespmem:$0x16C00] =	vst v63  }
0x179: {  	s30 =	sadd.s32 $0x70, s1;
	s1 =	sadd.s32 $0x4000, s1;
	s29 =	smov.u32 s12  }
0x17a: {  	[hbm4b:s30+s3] =	stream.linear.scatter [tilespmem:s11], [sflag:$0x4], $0x80, $0x38;
	[tilespmem:$0x16C00] =	vst v63  }
0x17b: {  	s30 =	sadd.s32 $0x12800, s0  }
0x17c: {  	[hbm4b:s1+s3] =	stream.linear.scatter [tilespmem:s30], [sflag:$0x4], $0x80, $0x38;
	[tilespmem:$0x16C00] =	vst v63  }
0x17d: {  	s31 =	sadd.s32 $0x12888, s0;
	s12 =	sadd.s32 $0x10, s1  }
0x17e: {  	[hbm4b:s12+s3] =	stream.linear.scatter [tilespmem:s31], [sflag:$0x4], $0x80, $0x38;
	[tilespmem:$0x16C00] =	vst v63  }
0x17f: {  	s30 =	sadd.s32 $0x12910, s0;
	s31 =	sadd.s32 $0x20, s1  }
0x180: {  	[hbm4b:s31+s3] =	stream.linear.scatter [tilespmem:s30], [sflag:$0x4], $0x80, $0x38;
	[tilespmem:$0x16C00] =	vst v63  }
0x181: {  	s30 =	sadd.s32 $0x12998, s0;
	s31 =	sadd.s32 $0x30, s1  }
0x182: {  	[hbm4b:s31+s3] =	stream.linear.scatter [tilespmem:s30], [sflag:$0x4], $0x80, $0x38;
	[tilespmem:$0x16C00] =	vst v63  }
0x183: {  	s30 =	sadd.s32 $0x12A20, s0;
	s31 =	sadd.s32 $0x40, s1  }
0x184: {  	[hbm4b:s31+s3] =	stream.linear.scatter [tilespmem:s30], [sflag:$0x4], $0x80, $0x38;
	[tilespmem:$0x16C00] =	vst v63  }
0x185: {  	s30 =	sadd.s32 $0x12AA8, s0;
	s31 =	sadd.s32 $0x50, s1  }
0x186: {  	[hbm4b:s31+s3] =	stream.linear.scatter [tilespmem:s30], [sflag:$0x4], $0x80, $0x38;
	[tilespmem:$0x16C00] =	vst v63  }
0x187: {  	s30 =	sadd.s32 $0x12B30, s0;
	s31 =	sadd.s32 $0x60, s1  }
0x188: {  	[hbm4b:s31+s3] =	stream.linear.scatter [tilespmem:s30], [sflag:$0x4], $0x80, $0x38;
	[tilespmem:$0x16C00] =	vst v63  }
0x189: {  	s30 =	sor.u32 s9, s28  }
0x18a: {  	s11 =	sadd.s32 $0x12BB8, s0;
	s12 =	sadd.s32 $0x70, s1;
	s0 =	sshrl.u32 s30, $0x3  }
0x18b: {  	[hbm4b:s12+s3] =	stream.linear.scatter [tilespmem:s11], [sflag:$0x4], $0x80, $0x38;
	[tilespmem:$0x16C00] =	vst v63  }
0x18c: {  	s31 =	simm.s32 $0x14A00;
	s1 =	sadd.s32 s2, s0  }
0x18d: {  	[hbm4b:s1+s3] =	stream.linear.scatter [tilespmem:s31], [sflag:$0x4], $0x80, $0x38;
	[tilespmem:$0x16C00] =	vst v63  }
0x18e: {  	s11 =	simm.s32 $0x14A88;
	s12 =	sadd.s32 $0x10, s1  }
0x18f: {  	[hbm4b:s12+s3] =	stream.linear.scatter [tilespmem:s11], [sflag:$0x4], $0x80, $0x38;
	[tilespmem:$0x16C00] =	vst v63  }
0x190: {  	s28 =	simm.s32 $0x2200;
	s30 =	simm.s32 $0x14B10;
	s31 =	sadd.s32 $0x20, s1  }
0x191: {  	[hbm4b:s31+s3] =	stream.linear.scatter [tilespmem:s30], [sflag:$0x4], $0x80, $0x38;
	[tilespmem:$0x16C00] =	vst v63  }
0x192: {  	s0 =	simm.s32 $0x440;
	s11 =	simm.s32 $0x14B98;
	s12 =	sadd.s32 $0x30, s1  }
0x193: {  	[hbm4b:s12+s3] =	stream.linear.scatter [tilespmem:s11], [sflag:$0x4], $0x80, $0x38;
	[tilespmem:$0x16C00] =	vst v63  }
0x194: {  	s29 =	sadd.s32 $0x70, s1;
	s30 =	simm.s32 $0x14C20;
	s31 =	sadd.s32 $0x40, s1  }
0x195: {  	[hbm4b:s31+s3] =	stream.linear.scatter [tilespmem:s30], [sflag:$0x4], $0x80, $0x38;
	[tilespmem:$0x16C00] =	vst v63  }
0x196: {  	s11 =	simm.s32 $0x14CA8;
	s12 =	sadd.s32 $0x50, s1;
	s30 =	simm.s32 $0x14D30  }
0x197: {  	[hbm4b:s12+s3] =	stream.linear.scatter [tilespmem:s11], [sflag:$0x4], $0x80, $0x38;
	[tilespmem:$0x16C00] =	vst v63  }
0x198: {  	s31 =	sadd.s32 $0x60, s1;
	s1 =	sadd.s32 $0x4000, s1;
	s11 =	simm.s32 $0x14DB8  }
0x199: {  	[hbm4b:s31+s3] =	stream.linear.scatter [tilespmem:s30], [sflag:$0x4], $0x80, $0x38;
	[tilespmem:$0x16C00] =	vst v63  }
.LBB2_13:
0x19a: {  	[hbm4b:s29+s3] =	stream.linear.scatter [tilespmem:s11], [sflag:$0x4], $0x80, $0x38;
	[tilespmem:$0x16C00] =	vst v63  }
0x19b: {  	s11 =	smov.u32 s0;
	s0 =	smov.u32 s28  }
0x19c: {  	s12 =	sadd.s32 $0x1100, s28;
	s0 =	sshra.s32 s0, $0x2;
	s29 =	sadd.s32 $0x14A00, s11  }
0x19d: {  	[hbm4b:s1+s3] =	stream.linear.scatter [tilespmem:s29], [sflag:$0x4], $0x80, $0x38;
	[tilespmem:$0x16C00] =	vst v63  }
0x19e: {  	p0 =	sne.s32 s28, $0x7700;
	s28 =	sadd.s32 $0x14A88, s11;
	s29 =	sadd.s32 $0x10, s1  }
0x19f: {  	[hbm4b:s29+s3] =	stream.linear.scatter [tilespmem:s28], [sflag:$0x4], $0x80, $0x38;
	[tilespmem:$0x16C00] =	vst v63  }
0x1a0: {  	s28 =	sadd.s32 $0x14B10, s11;
	s29 =	sadd.s32 $0x20, s1  }
0x1a1: {  	[hbm4b:s29+s3] =	stream.linear.scatter [tilespmem:s28], [sflag:$0x4], $0x80, $0x38;
	[tilespmem:$0x16C00] =	vst v63  }
0x1a2: {  	s28 =	sadd.s32 $0x14B98, s11;
	s29 =	sadd.s32 $0x30, s1  }
0x1a3: {  	[hbm4b:s29+s3] =	stream.linear.scatter [tilespmem:s28], [sflag:$0x4], $0x80, $0x38;
	[tilespmem:$0x16C00] =	vst v63  }
0x1a4: {  	s28 =	sadd.s32 $0x14C20, s11;
	s29 =	sadd.s32 $0x40, s1  }
0x1a5: {  	[hbm4b:s29+s3] =	stream.linear.scatter [tilespmem:s28], [sflag:$0x4], $0x80, $0x38;
	[tilespmem:$0x16C00] =	vst v63  }
.Ltmp5:
0x1a6: {  	s28 =	sadd.s32 $0x14CA8, s11;
	s29 =	sadd.s32 $0x50, s1;
	(pc) =	sbr.rel @p0 .LBB2_13-.Ltmp5, $4  }
0x1a7: {  	[hbm4b:s29+s3] =	stream.linear.scatter [tilespmem:s28], [sflag:$0x4], $0x80, $0x38;
	[tilespmem:$0x16C00] =	vst v63  }
0x1a8: {  	s28 =	sadd.s32 $0x14D30, s11;
	s29 =	sadd.s32 $0x60, s1;
	s11 =	sadd.s32 $0x14DB8, s11  }
0x1a9: {  	[hbm4b:s29+s3] =	stream.linear.scatter [tilespmem:s28], [sflag:$0x4], $0x80, $0x38;
	[tilespmem:$0x16C00] =	vst v63  }
0x1aa: {  	s29 =	sadd.s32 $0x70, s1;
	s1 =	sadd.s32 $0x4000, s1;
	s28 =	smov.u32 s12  }
0x1ab: {  	[hbm4b:s29+s3] =	stream.linear.scatter [tilespmem:s11], [sflag:$0x4], $0x80, $0x38;
	[tilespmem:$0x16C00] =	vst v63  }
0x1ac: {  	s30 =	sadd.s32 $0x14A00, s0  }
0x1ad: {  	[hbm4b:s1+s3] =	stream.linear.scatter [tilespmem:s30], [sflag:$0x4], $0x80, $0x38;
	[tilespmem:$0x16C00] =	vst v63  }
0x1ae: {  	s31 =	sadd.s32 $0x14A88, s0;
	s12 =	sadd.s32 $0x10, s1  }
0x1af: {  	[hbm4b:s12+s3] =	stream.linear.scatter [tilespmem:s31], [sflag:$0x4], $0x80, $0x38;
	[tilespmem:$0x16C00] =	vst v63  }
0x1b0: {  	s28 =	sadd.s32 $0x14B10, s0;
	s29 =	sadd.s32 $0x20, s1  }
0x1b1: {  	[hbm4b:s29+s3] =	stream.linear.scatter [tilespmem:s28], [sflag:$0x4], $0x80, $0x38;
	[tilespmem:$0x16C00] =	vst v63  }
0x1b2: {  	s30 =	sadd.s32 $0x14B98, s0;
	s31 =	sadd.s32 $0x30, s1  }
0x1b3: {  	[hbm4b:s31+s3] =	stream.linear.scatter [tilespmem:s30], [sflag:$0x4], $0x80, $0x38;
	[tilespmem:$0x16C00] =	vst v63  }
0x1b4: {  	s26 =	sadd.s32 $0x1, s26;
	s28 =	sadd.s32 $0x14C20, s0;
	s29 =	sadd.s32 $0x40, s1  }
0x1b5: {  	[hbm4b:s29+s3] =	stream.linear.scatter [tilespmem:s28], [sflag:$0x4], $0x80, $0x38;
	[tilespmem:$0x16C00] =	vst v63  }
0x1b6: {  	p0 =	sne.s32 s26, $0x32;
	s30 =	sadd.s32 $0x14CA8, s0;
	s31 =	sadd.s32 $0x50, s1  }
0x1b7: {  	[hbm4b:s31+s3] =	stream.linear.scatter [tilespmem:s30], [sflag:$0x4], $0x80, $0x38;
	[tilespmem:$0x16C00] =	vst v63  }
.Ltmp6:
0x1b8: {  	_ = 	snop;
	(pc) =	sbr.rel @p0 .LBB2_2-.Ltmp6, $4  }
0x1b9: {  	s28 =	sadd.s32 $0x14D30, s0;
	s29 =	sadd.s32 $0x60, s1  }
0x1ba: {  	[hbm4b:s29+s3] =	stream.linear.scatter [tilespmem:s28], [sflag:$0x4], $0x80, $0x38;
	[tilespmem:$0x16C00] =	vst v63  }
0x1bb: {  	s30 =	sadd.s32 $0x14DB8, s0;
	s31 =	sadd.s32 $0x70, s1  }
0x1bc: {  	[hbm4b:s31+s3] =	stream.linear.scatter [tilespmem:s30], [sflag:$0x4], $0x80, $0x38;
	[tilespmem:$0x16C00] =	vst v63  }
0x1bd: {  	_ =	swait.ge [sflag:s23], $0x2000  }
0x1be: {  	[sflag:s23] =	ssyncset.done $0x0  }
0x1bf: {  	[sflag:s23] =	ssyncadd.s32 $0xFFFFE000  }
0x1c0: {  	_ =	swait.ge [sflag:s24], $0x2000  }
0x1c1: {  	[sflag:s24] =	ssyncset.done $0x0  }
0x1c2: {  	s25 =	sadd.s32 $0x1, s25;
	[sflag:s24] =	ssyncadd.s32 $0xFFFFE000  }
0x1c3: {  	p0 =	sne.s32 s25, s10;
	_ =	swait.ge [sflag:s23], $0x2000  }
.Ltmp7:
0x1c4: {  	[sflag:s23] =	ssyncset.done $0x0;
	(pc) =	sbr.rel @p0 .LBB2_1-.Ltmp7, $4  }
0x1c5: {  	[sflag:s23] =	ssyncadd.s32 $0xFFFFE000  }
0x1c6: {  	_ =	swait.ge [sflag:s24], $0x2000  }
0x1c7: {  	[sflag:s24] =	ssyncset.done $0x0  }
0x1c8: {  	[sflag:s24] =	ssyncadd.s32 $0xFFFFE000  }
0x1c9: {  	_ =	sfence.sel $0x180000  }
0x1ca: {  	[bflag:$0x0] =	sbarrier.arrive $0xFFFF  }
0x1cb: {  	_ =	strace $0x90000047  }
0x1cc: {  	s0 =	stileid.u32;
	[bflag:$0x2] =	sbarrier.arrive $0xFFFF  }
0x1cd: {  	p0 =	sne.s32 s0, $0x0;
	s0 =	rddreg [dreg:$0x2]  }
0x1ce: {  	s0 =	sadd.s32 @!p0 $0x100000, s0  }
0x1cf: {  	[sflag:s0] =	ssyncadd.tile.s32 @!p0 $0x1;
	_ =	shalt  }
.Lfunc_end2:
_tile_overlayer_lowered:
.L_overlay_start_2:
0x1d0: {  	(tag) =	ssettag $0x2  }
0x1d1: {  	s0 =	rddreg [dreg:$0x0];
	s2 =	stileid.u32  }
0x1d2: {  	s1 =	rddreg [dreg:$0x1];
	p0 =	sne.s32 s2, $0x0  }
0x1d3: {  	s3 =	rddreg [dreg:$0x2];
	[bflag:$0x3] =	sbarrier.arrive $0xFFFF;
	s2 =	simm.s32 @!p0 $0x1C05  }
0x1d4: {  	[timem:s3], [sflag:s2] =	dma.local @!p0 [hbm:s0], s1  }
0x1d5: {  	s0 =	simm.s32 @!p0 $0x5  }
0x1d6: {  	_ =	swait.ge @!p0 [sflag:s0], s1  }
0x1d7: {  	s1 =	ssub.s32 @!p0 $0x0, s1;
	[sflag:s0] =	ssyncset.done @!p0 $0x0  }
0x1d8: {  	[sflag:s0] =	ssyncadd.s32 @!p0 s1  }
0x1d9: {  	[bflag:$0x3] =	sbarrier.arrive $0xFFFF  }
0x1da: {  	_ =	shalt  }

</sc_bundles>
